<compile_context>
chip_gen: v7x
topology: tpu7x:2x2x1
jax: 0.10.2.dev20260603
libtpu: 0.0.44.dev20260713+nightly
codegen_flags: <defaults>
</compile_context>

<pallas_src>
import functools

import jax
import jax.numpy as jnp
from jax import lax
from jax.experimental import pallas as pl
from jax.experimental.pallas import tpu as pltpu
from jax.experimental.pallas import tpu_sc as plsc

MARGIN_ = 10.0
ALPHA_ = 1.0
EPS_ = 1e-05

BR = 2048
N_ = 32768
C_ = 1024
NW_ = 32
BPW_ = N_ // NW_


def _dense_body(x_ref, out_ref):
    i = pl.program_id(0)
    x = x_ref[...]

    m = jnp.max(x, axis=1, keepdims=True)
    d = x - m
    se = jnp.sum(jnp.exp(d), axis=1)
    s_lse = jnp.sum(m[:, 0] + jnp.log(se))
    s_relu = jnp.sum(jnp.maximum((-MARGIN_) - d, 0.0))
    s_x = jnp.sum(x)

    lane = jax.lax.broadcasted_iota(jnp.int32, (1, 128), 1)
    part = (jnp.where(lane == 0, s_lse, 0.0)
            + jnp.where(lane == 2, s_relu, 0.0)
            + jnp.where(lane == 3, s_x, 0.0))

    @pl.when(i == 0)
    def _():
        out_ref[...] = jnp.zeros_like(out_ref)

    out_ref[...] += part


def _dense_sums(inputs):
    n, c = inputs.shape
    grid = n // BR
    return pl.pallas_call(
        _dense_body,
        grid=(grid,),
        in_specs=[pl.BlockSpec((BR, c), lambda i: (i, 0))],
        out_specs=pl.BlockSpec((1, 128), lambda i: (0, 0)),
        out_shape=jax.ShapeDtypeStruct((1, 128), jnp.float32),
    )(inputs)


def _pick_body(x_hbm, t_hbm, out_hbm, t_v, idx_v, vals_v, acc_v, sem):
    wid = lax.axis_index("s") * 2 + lax.axis_index("c")
    base = wid * BPW_

    pltpu.sync_copy(t_hbm.at[pl.ds(base, BPW_)], t_v)

    lane16 = lax.iota(jnp.int32, 16)
    row0 = (base + lane16) * C_
    for k in range(8):
        for l in range(8):
            j = k * 8 + l
            t16 = t_v[pl.ds(j * 16, 16)]
            idx_v[k, pl.ds(l * 16, 16)] = t16 + row0 + (j * 16 * C_)

    copies = [pltpu.async_copy(x_hbm.at[idx_v.at[k]], vals_v.at[k], sem)
              for k in range(8)]
    for cp in copies:
        cp.wait()

    acc = jnp.zeros((16,), jnp.float32)
    for k in range(8):
        for l in range(8):
            acc = acc + vals_v[k, pl.ds(l * 16, 16)]
    acc_v[...] = acc
    pltpu.sync_copy(acc_v, out_hbm.at[wid])


@functools.partial(
    pl.kernel,
    mesh=plsc.VectorSubcoreMesh(core_axis_name="c", subcore_axis_name="s"),
    out_type=jax.ShapeDtypeStruct((NW_, 16), jnp.float32),
    scratch_types=[
        pltpu.VMEM((BPW_,), jnp.int32),
        pltpu.VMEM((8, 128), jnp.int32),
        pltpu.VMEM((8, 128), jnp.float32),
        pltpu.VMEM((16,), jnp.float32),
        pltpu.SemaphoreType.DMA,
    ],
)
def _pick_partials(x_flat_hbm, t_hbm, out_hbm, t_v, idx_v, vals_v, acc_v, sem):
    _pick_body(x_flat_hbm, t_hbm, out_hbm, t_v, idx_v, vals_v, acc_v, sem)


def kernel(inputs, targets):
    n, c = inputs.shape
    t32 = targets.astype(jnp.int32)

    pick_parts = _pick_partials(inputs.reshape(-1), t32)
    dense = _dense_sums(inputs)

    s_pick = jnp.sum(pick_parts)
    s_lse, s_relu, s_x = dense[0, 0], dense[0, 2], dense[0, 3]

    loss_ce = (s_lse - s_pick) / n
    loss_margin = s_relu / (n * c)
    dice = (2.0 * s_pick + EPS_) / ((n + s_x) + EPS_)
    loss_dice = 1.0 - dice
    loss = loss_ce + loss_dice + ALPHA_ * loss_margin
    return (loss, loss_ce, loss_margin, loss_dice)

# --- scband reference (transcript-rebuilt; emitter-appended) ---
"""Pipeline reference for scband-logit-margin-dicel1-60885456388718 (READ-ONLY COPY).

The authoritative reference and input builder live on the scoring server;
editing this copy changes nothing except your own understanding.
"""

import jax, jax.numpy as jnp
import numpy as np

MARGIN = 10.0
ALPHA = 1.0
EPS = 1e-05


def setup_inputs(seed: int = 0) -> dict:
    key = jax.random.key(seed)
    k1, k2 = jax.random.split(key)
    inputs = jax.random.normal(k1, (32768, 1024), dtype=jnp.float32)
    targets = jax.random.randint(k2, (32768,), 0, 1024, dtype=jnp.int64 if jax.config.jax_enable_x64 else jnp.int32)
    return {"inputs": inputs, "targets": targets}


def reference(inputs, targets):
    # inputs: [N, C] float32 logits, targets: [N] int class ids
    # ignore_index = -100 < 0, so no filtering branch is taken.
    N, C = inputs.shape

    # loss_ce: mean cross entropy (nn.CrossEntropyLoss default)
    logp = jax.nn.log_softmax(inputs, axis=1)
    picked = jnp.take_along_axis(logp, targets[:, None], axis=1)[:, 0]
    loss_ce = -jnp.mean(picked)

    # get_diff: row max broadcast minus logits
    max_values = jnp.max(inputs, axis=1, keepdims=True)
    diff = max_values - inputs
    loss_margin = jnp.mean(jax.nn.relu(diff - MARGIN))

    # get_dice: one-hot scatter; reduce_axis = arange(2, ndim=2) = [] which in
    # torch reduces over ALL dims, yielding scalars num/den.
    labels = jax.nn.one_hot(targets, C, dtype=inputs.dtype)
    num = jnp.sum(labels * inputs)
    den = jnp.sum(labels) + jnp.sum(inputs)
    dice = (2.0 * num + EPS) / (den + EPS)
    loss_dice = 1.0 - jnp.mean(dice)

    loss = loss_ce + loss_dice + ALPHA * loss_margin
    return (loss, loss_ce, loss_margin, loss_dice)

if __name__ == "__main__":
    import jax
    _d = setup_inputs()
    print(jax.jit(kernel)(*tuple(_d.values())))

</pallas_src>

<mosaic_0001>
#map = affine_map<(d0, d1) -> (0)>
#map1 = affine_map<(d0, d1) -> (0, 0)>
module attributes {stable_mosaic.version = 14 : i64} {
  func.func @_pick_partials(%arg0: i32, %arg1: i32, %arg2: memref<33554432xf32, #tpu.memory_space<hbm>>, %arg3: memref<32768xi32, #tpu.memory_space<hbm>>, %arg4: memref<32x16xf32, #tpu.memory_space<hbm>>, %arg5: memref<1024xi32, #tpu.memory_space<vmem>>, %arg6: memref<8x128xi32, #tpu.memory_space<vmem>>, %arg7: memref<8x128xf32, #tpu.memory_space<vmem>>, %arg8: memref<16xf32, #tpu.memory_space<vmem>>, %arg9: memref<!tpu.dma_semaphore, #tpu.memory_space<semaphore_mem>>) attributes {dimension_semantics = [#tpu.dimension_semantics<core_parallel>, #tpu.dimension_semantics<subcore_parallel>], iteration_bounds = array<i64: 2, 16>, scalar_prefetch = 0 : i64, scratch_operands = 5 : i64, tpu.core_type = #tpu.core_type<sc_vector_subcore>, window_params = [{transform_indices = #map}, {transform_indices = #map}, {transform_indices = #map1}]} {
    %mul3A = arith.constant 2 : i32
    %mul3A_0 = arith.muli %arg1, %mul3A : i32
    %add3A = arith.addi %mul3A_0, %arg0 : i32
    %mul3A_1 = arith.constant 1024 : i32
    %mul3A_2 = arith.muli %add3A, %mul3A_1 : i32
    "tpu.region"() ({
      %run_scoped3A = tpu.sem_alloc : memref<!tpu.dma_semaphore, #tpu.memory_space<semaphore_mem>>
      %dma_start3A_1385 = tpu.memref_slice %arg3[%mul3A_2] : memref<32768xi32, #tpu.memory_space<hbm>> -> memref<1024xi32, #tpu.memory_space<hbm>>
      %dma_start3A_1386 = tpu.memref_slice %arg3[%mul3A_2] : memref<32768xi32, #tpu.memory_space<hbm>> -> memref<1024xi32, #tpu.memory_space<hbm>>
      tpu.enqueue_dma source(%dma_start3A_1386 : memref<1024xi32, #tpu.memory_space<hbm>>) target(%arg5 : memref<1024xi32, #tpu.memory_space<vmem>>) target_semaphore(%run_scoped3A : memref<!tpu.dma_semaphore, #tpu.memory_space<semaphore_mem>>)
      %dma_wait3A_1387 = tpu.memref_slice %arg3[%mul3A_2] : memref<32768xi32, #tpu.memory_space<hbm>> -> memref<1024xi32, #tpu.memory_space<hbm>>
      %dma_wait3A_1388 = tpu.memref_slice %arg3[%mul3A_2] : memref<32768xi32, #tpu.memory_space<hbm>> -> memref<1024xi32, #tpu.memory_space<hbm>>
      tpu.wait_dma2 semaphore(%run_scoped3A : memref<!tpu.dma_semaphore, #tpu.memory_space<semaphore_mem>>) src(%dma_wait3A_1388 : memref<1024xi32, #tpu.memory_space<hbm>>) dst(%arg5 : memref<1024xi32, #tpu.memory_space<vmem>>)
      tpu.yield
    }) : () -> ()
    %iota3A = tpu.iota {dimensions = array<i32: 0>} : vector<16xi32>
    %add3A_3 = vector.broadcast %mul3A_2 : i32 to vector<16xi32>
    %add3A_4 = arith.addi %add3A_3, %iota3A : vector<16xi32>
    %mul3A_5 = arith.constant 1024 : i32
    %mul3A_6 = vector.broadcast %mul3A_5 : i32 to vector<16xi32>
    %mul3A_7 = arith.muli %add3A_4, %mul3A_6 : vector<16xi32>
    %get3A = arith.constant 0 : index
    %get3A_8 = tpu.vector_load %arg5[%get3A] {strides = array<i32>} : memref<1024xi32, #tpu.memory_space<vmem>>, vector<16xi32>,
    %get3A_9 = vector.shape_cast %get3A_8 : vector<16xi32> to vector<16xi32>
    %add3A_10 = arith.addi %get3A_9, %mul3A_7 : vector<16xi32>
    %add3A_11 = arith.constant 0 : i32
    %add3A_12 = vector.broadcast %add3A_11 : i32 to vector<16xi32>
    %add3A_13 = arith.addi %add3A_10, %add3A_12 : vector<16xi32>
    %swap3A = arith.constant 0 : i32
    %swap3A_14 = arith.index_cast %swap3A : i32 to index
    %swap3A_15 = arith.constant 0 : index
    %swap3A_16 = tpu.vector_load %arg6[%swap3A_14, %swap3A_15] {strides = array<i32>} : memref<8x128xi32, #tpu.memory_space<vmem>>, vector<1x16xi32>,
    %swap3A_17 = vector.shape_cast %swap3A_16 : vector<1x16xi32> to vector<16xi32>
    %swap3A_18 = vector.shape_cast %add3A_13 : vector<16xi32> to vector<1x16xi32>
    tpu.vector_store %arg6[%swap3A_14, %swap3A_15], %swap3A_18 {strides = array<i32>} : memref<8x128xi32, #tpu.memory_space<vmem>>, vector<1x16xi32>,
    %get3A_19 = arith.constant 16 : index
    %get3A_20 = tpu.vector_load %arg5[%get3A_19] {strides = array<i32>} : memref<1024xi32, #tpu.memory_space<vmem>>, vector<16xi32>,
    %get3A_21 = vector.shape_cast %get3A_20 : vector<16xi32> to vector<16xi32>
    %add3A_22 = arith.addi %get3A_21, %mul3A_7 : vector<16xi32>
    %add3A_23 = arith.constant 16384 : i32
    %add3A_24 = vector.broadcast %add3A_23 : i32 to vector<16xi32>
    %add3A_25 = arith.addi %add3A_22, %add3A_24 : vector<16xi32>
    %swap3A_26 = arith.constant 0 : i32
    %swap3A_27 = arith.index_cast %swap3A_26 : i32 to index
    %swap3A_28 = arith.constant 16 : index
    %swap3A_29 = tpu.vector_load %arg6[%swap3A_27, %swap3A_28] {strides = array<i32>} : memref<8x128xi32, #tpu.memory_space<vmem>>, vector<1x16xi32>,
    %swap3A_30 = vector.shape_cast %swap3A_29 : vector<1x16xi32> to vector<16xi32>
    %swap3A_31 = vector.shape_cast %add3A_25 : vector<16xi32> to vector<1x16xi32>
    tpu.vector_store %arg6[%swap3A_27, %swap3A_28], %swap3A_31 {strides = array<i32>} : memref<8x128xi32, #tpu.memory_space<vmem>>, vector<1x16xi32>,
    %get3A_32 = arith.constant 32 : index
    %get3A_33 = tpu.vector_load %arg5[%get3A_32] {strides = array<i32>} : memref<1024xi32, #tpu.memory_space<vmem>>, vector<16xi32>,
    %get3A_34 = vector.shape_cast %get3A_33 : vector<16xi32> to vector<16xi32>
    %add3A_35 = arith.addi %get3A_34, %mul3A_7 : vector<16xi32>
    %add3A_36 = arith.constant 32768 : i32
    %add3A_37 = vector.broadcast %add3A_36 : i32 to vector<16xi32>
    %add3A_38 = arith.addi %add3A_35, %add3A_37 : vector<16xi32>
    %swap3A_39 = arith.constant 0 : i32
    %swap3A_40 = arith.index_cast %swap3A_39 : i32 to index
    %swap3A_41 = arith.constant 32 : index
    %swap3A_42 = tpu.vector_load %arg6[%swap3A_40, %swap3A_41] {strides = array<i32>} : memref<8x128xi32, #tpu.memory_space<vmem>>, vector<1x16xi32>,
    %swap3A_43 = vector.shape_cast %swap3A_42 : vector<1x16xi32> to vector<16xi32>
    %swap3A_44 = vector.shape_cast %add3A_38 : vector<16xi32> to vector<1x16xi32>
    tpu.vector_store %arg6[%swap3A_40, %swap3A_41], %swap3A_44 {strides = array<i32>} : memref<8x128xi32, #tpu.memory_space<vmem>>, vector<1x16xi32>,
    %get3A_45 = arith.constant 48 : index
    %get3A_46 = tpu.vector_load %arg5[%get3A_45] {strides = array<i32>} : memref<1024xi32, #tpu.memory_space<vmem>>, vector<16xi32>,
    %get3A_47 = vector.shape_cast %get3A_46 : vector<16xi32> to vector<16xi32>
    %add3A_48 = arith.addi %get3A_47, %mul3A_7 : vector<16xi32>
    %add3A_49 = arith.constant 49152 : i32
    %add3A_50 = vector.broadcast %add3A_49 : i32 to vector<16xi32>
    %add3A_51 = arith.addi %add3A_48, %add3A_50 : vector<16xi32>
    %swap3A_52 = arith.constant 0 : i32
    %swap3A_53 = arith.index_cast %swap3A_52 : i32 to index
    %swap3A_54 = arith.constant 48 : index
    %swap3A_55 = tpu.vector_load %arg6[%swap3A_53, %swap3A_54] {strides = array<i32>} : memref<8x128xi32, #tpu.memory_space<vmem>>, vector<1x16xi32>,
    %swap3A_56 = vector.shape_cast %swap3A_55 : vector<1x16xi32> to vector<16xi32>
    %swap3A_57 = vector.shape_cast %add3A_51 : vector<16xi32> to vector<1x16xi32>
    tpu.vector_store %arg6[%swap3A_53, %swap3A_54], %swap3A_57 {strides = array<i32>} : memref<8x128xi32, #tpu.memory_space<vmem>>, vector<1x16xi32>,
    %get3A_58 = arith.constant 64 : index
    %get3A_59 = tpu.vector_load %arg5[%get3A_58] {strides = array<i32>} : memref<1024xi32, #tpu.memory_space<vmem>>, vector<16xi32>,
    %get3A_60 = vector.shape_cast %get3A_59 : vector<16xi32> to vector<16xi32>
    %add3A_61 = arith.addi %get3A_60, %mul3A_7 : vector<16xi32>
    %add3A_62 = arith.constant 65536 : i32
    %add3A_63 = vector.broadcast %add3A_62 : i32 to vector<16xi32>
    %add3A_64 = arith.addi %add3A_61, %add3A_63 : vector<16xi32>
    %swap3A_65 = arith.constant 0 : i32
    %swap3A_66 = arith.index_cast %swap3A_65 : i32 to index
    %swap3A_67 = arith.constant 64 : index
    %swap3A_68 = tpu.vector_load %arg6[%swap3A_66, %swap3A_67] {strides = array<i32>} : memref<8x128xi32, #tpu.memory_space<vmem>>, vector<1x16xi32>,
    %swap3A_69 = vector.shape_cast %swap3A_68 : vector<1x16xi32> to vector<16xi32>
    %swap3A_70 = vector.shape_cast %add3A_64 : vector<16xi32> to vector<1x16xi32>
    tpu.vector_store %arg6[%swap3A_66, %swap3A_67], %swap3A_70 {strides = array<i32>} : memref<8x128xi32, #tpu.memory_space<vmem>>, vector<1x16xi32>,
    %get3A_71 = arith.constant 80 : index
    %get3A_72 = tpu.vector_load %arg5[%get3A_71] {strides = array<i32>} : memref<1024xi32, #tpu.memory_space<vmem>>, vector<16xi32>,
    %get3A_73 = vector.shape_cast %get3A_72 : vector<16xi32> to vector<16xi32>
    %add3A_74 = arith.addi %get3A_73, %mul3A_7 : vector<16xi32>
    %add3A_75 = arith.constant 81920 : i32
    %add3A_76 = vector.broadcast %add3A_75 : i32 to vector<16xi32>
    %add3A_77 = arith.addi %add3A_74, %add3A_76 : vector<16xi32>
    %swap3A_78 = arith.constant 0 : i32
    %swap3A_79 = arith.index_cast %swap3A_78 : i32 to index
    %swap3A_80 = arith.constant 80 : index
    %swap3A_81 = tpu.vector_load %arg6[%swap3A_79, %swap3A_80] {strides = array<i32>} : memref<8x128xi32, #tpu.memory_space<vmem>>, vector<1x16xi32>,
    %swap3A_82 = vector.shape_cast %swap3A_81 : vector<1x16xi32> to vector<16xi32>
    %swap3A_83 = vector.shape_cast %add3A_77 : vector<16xi32> to vector<1x16xi32>
    tpu.vector_store %arg6[%swap3A_79, %swap3A_80], %swap3A_83 {strides = array<i32>} : memref<8x128xi32, #tpu.memory_space<vmem>>, vector<1x16xi32>,
    %get3A_84 = arith.constant 96 : index
    %get3A_85 = tpu.vector_load %arg5[%get3A_84] {strides = array<i32>} : memref<1024xi32, #tpu.memory_space<vmem>>, vector<16xi32>,
    %get3A_86 = vector.shape_cast %get3A_85 : vector<16xi32> to vector<16xi32>
    %add3A_87 = arith.addi %get3A_86, %mul3A_7 : vector<16xi32>
    %add3A_88 = arith.constant 98304 : i32
    %add3A_89 = vector.broadcast %add3A_88 : i32 to vector<16xi32>
    %add3A_90 = arith.addi %add3A_87, %add3A_89 : vector<16xi32>
    %swap3A_91 = arith.constant 0 : i32
    %swap3A_92 = arith.index_cast %swap3A_91 : i32 to index
    %swap3A_93 = arith.constant 96 : index
    %swap3A_94 = tpu.vector_load %arg6[%swap3A_92, %swap3A_93] {strides = array<i32>} : memref<8x128xi32, #tpu.memory_space<vmem>>, vector<1x16xi32>,
    %swap3A_95 = vector.shape_cast %swap3A_94 : vector<1x16xi32> to vector<16xi32>
    %swap3A_96 = vector.shape_cast %add3A_90 : vector<16xi32> to vector<1x16xi32>
    tpu.vector_store %arg6[%swap3A_92, %swap3A_93], %swap3A_96 {strides = array<i32>} : memref<8x128xi32, #tpu.memory_space<vmem>>, vector<1x16xi32>,
    %get3A_97 = arith.constant 112 : index
    %get3A_98 = tpu.vector_load %arg5[%get3A_97] {strides = array<i32>} : memref<1024xi32, #tpu.memory_space<vmem>>, vector<16xi32>,
    %get3A_99 = vector.shape_cast %get3A_98 : vector<16xi32> to vector<16xi32>
    %add3A_100 = arith.addi %get3A_99, %mul3A_7 : vector<16xi32>
    %add3A_101 = arith.constant 114688 : i32
    %add3A_102 = vector.broadcast %add3A_101 : i32 to vector<16xi32>
    %add3A_103 = arith.addi %add3A_100, %add3A_102 : vector<16xi32>
    %swap3A_104 = arith.constant 0 : i32
    %swap3A_105 = arith.index_cast %swap3A_104 : i32 to index
    %swap3A_106 = arith.constant 112 : index
    %swap3A_107 = tpu.vector_load %arg6[%swap3A_105, %swap3A_106] {strides = array<i32>} : memref<8x128xi32, #tpu.memory_space<vmem>>, vector<1x16xi32>,
    %swap3A_108 = vector.shape_cast %swap3A_107 : vector<1x16xi32> to vector<16xi32>
    %swap3A_109 = vector.shape_cast %add3A_103 : vector<16xi32> to vector<1x16xi32>
    tpu.vector_store %arg6[%swap3A_105, %swap3A_106], %swap3A_109 {strides = array<i32>} : memref<8x128xi32, #tpu.memory_space<vmem>>, vector<1x16xi32>,
    %get3A_110 = arith.constant 128 : index
    %get3A_111 = tpu.vector_load %arg5[%get3A_110] {strides = array<i32>} : memref<1024xi32, #tpu.memory_space<vmem>>, vector<16xi32>,
    %get3A_112 = vector.shape_cast %get3A_111 : vector<16xi32> to vector<16xi32>
    %add3A_113 = arith.addi %get3A_112, %mul3A_7 : vector<16xi32>
    %add3A_114 = arith.constant 131072 : i32
    %add3A_115 = vector.broadcast %add3A_114 : i32 to vector<16xi32>
    %add3A_116 = arith.addi %add3A_113, %add3A_115 : vector<16xi32>
    %swap3A_117 = arith.constant 1 : i32
    %swap3A_118 = arith.index_cast %swap3A_117 : i32 to index
    %swap3A_119 = arith.constant 0 : index
    %swap3A_120 = tpu.vector_load %arg6[%swap3A_118, %swap3A_119] {strides = array<i32>} : memref<8x128xi32, #tpu.memory_space<vmem>>, vector<1x16xi32>,
    %swap3A_121 = vector.shape_cast %swap3A_120 : vector<1x16xi32> to vector<16xi32>
    %swap3A_122 = vector.shape_cast %add3A_116 : vector<16xi32> to vector<1x16xi32>
    tpu.vector_store %arg6[%swap3A_118, %swap3A_119], %swap3A_122 {strides = array<i32>} : memref<8x128xi32, #tpu.memory_space<vmem>>, vector<1x16xi32>,
    %get3A_123 = arith.constant 144 : index
    %get3A_124 = tpu.vector_load %arg5[%get3A_123] {strides = array<i32>} : memref<1024xi32, #tpu.memory_space<vmem>>, vector<16xi32>,
    %get3A_125 = vector.shape_cast %get3A_124 : vector<16xi32> to vector<16xi32>
    %add3A_126 = arith.addi %get3A_125, %mul3A_7 : vector<16xi32>
    %add3A_127 = arith.constant 147456 : i32
    %add3A_128 = vector.broadcast %add3A_127 : i32 to vector<16xi32>
    %add3A_129 = arith.addi %add3A_126, %add3A_128 : vector<16xi32>
    %swap3A_130 = arith.constant 1 : i32
    %swap3A_131 = arith.index_cast %swap3A_130 : i32 to index
    %swap3A_132 = arith.constant 16 : index
    %swap3A_133 = tpu.vector_load %arg6[%swap3A_131, %swap3A_132] {strides = array<i32>} : memref<8x128xi32, #tpu.memory_space<vmem>>, vector<1x16xi32>,
    %swap3A_134 = vector.shape_cast %swap3A_133 : vector<1x16xi32> to vector<16xi32>
    %swap3A_135 = vector.shape_cast %add3A_129 : vector<16xi32> to vector<1x16xi32>
    tpu.vector_store %arg6[%swap3A_131, %swap3A_132], %swap3A_135 {strides = array<i32>} : memref<8x128xi32, #tpu.memory_space<vmem>>, vector<1x16xi32>,
    %get3A_136 = arith.constant 160 : index
    %get3A_137 = tpu.vector_load %arg5[%get3A_136] {strides = array<i32>} : memref<1024xi32, #tpu.memory_space<vmem>>, vector<16xi32>,
    %get3A_138 = vector.shape_cast %get3A_137 : vector<16xi32> to vector<16xi32>
    %add3A_139 = arith.addi %get3A_138, %mul3A_7 : vector<16xi32>
    %add3A_140 = arith.constant 163840 : i32
    %add3A_141 = vector.broadcast %add3A_140 : i32 to vector<16xi32>
    %add3A_142 = arith.addi %add3A_139, %add3A_141 : vector<16xi32>
    %swap3A_143 = arith.constant 1 : i32
    %swap3A_144 = arith.index_cast %swap3A_143 : i32 to index
    %swap3A_145 = arith.constant 32 : index
    %swap3A_146 = tpu.vector_load %arg6[%swap3A_144, %swap3A_145] {strides = array<i32>} : memref<8x128xi32, #tpu.memory_space<vmem>>, vector<1x16xi32>,
    %swap3A_147 = vector.shape_cast %swap3A_146 : vector<1x16xi32> to vector<16xi32>
    %swap3A_148 = vector.shape_cast %add3A_142 : vector<16xi32> to vector<1x16xi32>
    tpu.vector_store %arg6[%swap3A_144, %swap3A_145], %swap3A_148 {strides = array<i32>} : memref<8x128xi32, #tpu.memory_space<vmem>>, vector<1x16xi32>,
    %get3A_149 = arith.constant 176 : index
    %get3A_150 = tpu.vector_load %arg5[%get3A_149] {strides = array<i32>} : memref<1024xi32, #tpu.memory_space<vmem>>, vector<16xi32>,
    %get3A_151 = vector.shape_cast %get3A_150 : vector<16xi32> to vector<16xi32>
    %add3A_152 = arith.addi %get3A_151, %mul3A_7 : vector<16xi32>
    %add3A_153 = arith.constant 180224 : i32
    %add3A_154 = vector.broadcast %add3A_153 : i32 to vector<16xi32>
    %add3A_155 = arith.addi %add3A_152, %add3A_154 : vector<16xi32>
    %swap3A_156 = arith.constant 1 : i32
    %swap3A_157 = arith.index_cast %swap3A_156 : i32 to index
    %swap3A_158 = arith.constant 48 : index
    %swap3A_159 = tpu.vector_load %arg6[%swap3A_157, %swap3A_158] {strides = array<i32>} : memref<8x128xi32, #tpu.memory_space<vmem>>, vector<1x16xi32>,
    %swap3A_160 = vector.shape_cast %swap3A_159 : vector<1x16xi32> to vector<16xi32>
    %swap3A_161 = vector.shape_cast %add3A_155 : vector<16xi32> to vector<1x16xi32>
    tpu.vector_store %arg6[%swap3A_157, %swap3A_158], %swap3A_161 {strides = array<i32>} : memref<8x128xi32, #tpu.memory_space<vmem>>, vector<1x16xi32>,
    %get3A_162 = arith.constant 192 : index
    %get3A_163 = tpu.vector_load %arg5[%get3A_162] {strides = array<i32>} : memref<1024xi32, #tpu.memory_space<vmem>>, vector<16xi32>,
    %get3A_164 = vector.shape_cast %get3A_163 : vector<16xi32> to vector<16xi32>
    %add3A_165 = arith.addi %get3A_164, %mul3A_7 : vector<16xi32>
    %add3A_166 = arith.constant 196608 : i32
    %add3A_167 = vector.broadcast %add3A_166 : i32 to vector<16xi32>
    %add3A_168 = arith.addi %add3A_165, %add3A_167 : vector<16xi32>
    %swap3A_169 = arith.constant 1 : i32
    %swap3A_170 = arith.index_cast %swap3A_169 : i32 to index
    %swap3A_171 = arith.constant 64 : index
    %swap3A_172 = tpu.vector_load %arg6[%swap3A_170, %swap3A_171] {strides = array<i32>} : memref<8x128xi32, #tpu.memory_space<vmem>>, vector<1x16xi32>,
    %swap3A_173 = vector.shape_cast %swap3A_172 : vector<1x16xi32> to vector<16xi32>
    %swap3A_174 = vector.shape_cast %add3A_168 : vector<16xi32> to vector<1x16xi32>
    tpu.vector_store %arg6[%swap3A_170, %swap3A_171], %swap3A_174 {strides = array<i32>} : memref<8x128xi32, #tpu.memory_space<vmem>>, vector<1x16xi32>,
    %get3A_175 = arith.constant 208 : index
    %get3A_176 = tpu.vector_load %arg5[%get3A_175] {strides = array<i32>} : memref<1024xi32, #tpu.memory_space<vmem>>, vector<16xi32>,
    %get3A_177 = vector.shape_cast %get3A_176 : vector<16xi32> to vector<16xi32>
    %add3A_178 = arith.addi %get3A_177, %mul3A_7 : vector<16xi32>
    %add3A_179 = arith.constant 212992 : i32
    %add3A_180 = vector.broadcast %add3A_179 : i32 to vector<16xi32>
    %add3A_181 = arith.addi %add3A_178, %add3A_180 : vector<16xi32>
    %swap3A_182 = arith.constant 1 : i32
    %swap3A_183 = arith.index_cast %swap3A_182 : i32 to index
    %swap3A_184 = arith.constant 80 : index
    %swap3A_185 = tpu.vector_load %arg6[%swap3A_183, %swap3A_184] {strides = array<i32>} : memref<8x128xi32, #tpu.memory_space<vmem>>, vector<1x16xi32>,
    %swap3A_186 = vector.shape_cast %swap3A_185 : vector<1x16xi32> to vector<16xi32>
    %swap3A_187 = vector.shape_cast %add3A_181 : vector<16xi32> to vector<1x16xi32>
    tpu.vector_store %arg6[%swap3A_183, %swap3A_184], %swap3A_187 {strides = array<i32>} : memref<8x128xi32, #tpu.memory_space<vmem>>, vector<1x16xi32>,
    %get3A_188 = arith.constant 224 : index
    %get3A_189 = tpu.vector_load %arg5[%get3A_188] {strides = array<i32>} : memref<1024xi32, #tpu.memory_space<vmem>>, vector<16xi32>,
    %get3A_190 = vector.shape_cast %get3A_189 : vector<16xi32> to vector<16xi32>
    %add3A_191 = arith.addi %get3A_190, %mul3A_7 : vector<16xi32>
    %add3A_192 = arith.constant 229376 : i32
    %add3A_193 = vector.broadcast %add3A_192 : i32 to vector<16xi32>
    %add3A_194 = arith.addi %add3A_191, %add3A_193 : vector<16xi32>
    %swap3A_195 = arith.constant 1 : i32
    %swap3A_196 = arith.index_cast %swap3A_195 : i32 to index
    %swap3A_197 = arith.constant 96 : index
    %swap3A_198 = tpu.vector_load %arg6[%swap3A_196, %swap3A_197] {strides = array<i32>} : memref<8x128xi32, #tpu.memory_space<vmem>>, vector<1x16xi32>,
    %swap3A_199 = vector.shape_cast %swap3A_198 : vector<1x16xi32> to vector<16xi32>
    %swap3A_200 = vector.shape_cast %add3A_194 : vector<16xi32> to vector<1x16xi32>
    tpu.vector_store %arg6[%swap3A_196, %swap3A_197], %swap3A_200 {strides = array<i32>} : memref<8x128xi32, #tpu.memory_space<vmem>>, vector<1x16xi32>,
    %get3A_201 = arith.constant 240 : index
    %get3A_202 = tpu.vector_load %arg5[%get3A_201] {strides = array<i32>} : memref<1024xi32, #tpu.memory_space<vmem>>, vector<16xi32>,
    %get3A_203 = vector.shape_cast %get3A_202 : vector<16xi32> to vector<16xi32>
    %add3A_204 = arith.addi %get3A_203, %mul3A_7 : vector<16xi32>
    %add3A_205 = arith.constant 245760 : i32
    %add3A_206 = vector.broadcast %add3A_205 : i32 to vector<16xi32>
    %add3A_207 = arith.addi %add3A_204, %add3A_206 : vector<16xi32>
    %swap3A_208 = arith.constant 1 : i32
    %swap3A_209 = arith.index_cast %swap3A_208 : i32 to index
    %swap3A_210 = arith.constant 112 : index
    %swap3A_211 = tpu.vector_load %arg6[%swap3A_209, %swap3A_210] {strides = array<i32>} : memref<8x128xi32, #tpu.memory_space<vmem>>, vector<1x16xi32>,
    %swap3A_212 = vector.shape_cast %swap3A_211 : vector<1x16xi32> to vector<16xi32>
    %swap3A_213 = vector.shape_cast %add3A_207 : vector<16xi32> to vector<1x16xi32>
    tpu.vector_store %arg6[%swap3A_209, %swap3A_210], %swap3A_213 {strides = array<i32>} : memref<8x128xi32, #tpu.memory_space<vmem>>, vector<1x16xi32>,
    %get3A_214 = arith.constant 256 : index
    %get3A_215 = tpu.vector_load %arg5[%get3A_214] {strides = array<i32>} : memref<1024xi32, #tpu.memory_space<vmem>>, vector<16xi32>,
    %get3A_216 = vector.shape_cast %get3A_215 : vector<16xi32> to vector<16xi32>
    %add3A_217 = arith.addi %get3A_216, %mul3A_7 : vector<16xi32>
    %add3A_218 = arith.constant 262144 : i32
    %add3A_219 = vector.broadcast %add3A_218 : i32 to vector<16xi32>
    %add3A_220 = arith.addi %add3A_217, %add3A_219 : vector<16xi32>
    %swap3A_221 = arith.constant 2 : i32
    %swap3A_222 = arith.index_cast %swap3A_221 : i32 to index
    %swap3A_223 = arith.constant 0 : index
    %swap3A_224 = tpu.vector_load %arg6[%swap3A_222, %swap3A_223] {strides = array<i32>} : memref<8x128xi32, #tpu.memory_space<vmem>>, vector<1x16xi32>,
    %swap3A_225 = vector.shape_cast %swap3A_224 : vector<1x16xi32> to vector<16xi32>
    %swap3A_226 = vector.shape_cast %add3A_220 : vector<16xi32> to vector<1x16xi32>
    tpu.vector_store %arg6[%swap3A_222, %swap3A_223], %swap3A_226 {strides = array<i32>} : memref<8x128xi32, #tpu.memory_space<vmem>>, vector<1x16xi32>,
    %get3A_227 = arith.constant 272 : index
    %get3A_228 = tpu.vector_load %arg5[%get3A_227] {strides = array<i32>} : memref<1024xi32, #tpu.memory_space<vmem>>, vector<16xi32>,
    %get3A_229 = vector.shape_cast %get3A_228 : vector<16xi32> to vector<16xi32>
    %add3A_230 = arith.addi %get3A_229, %mul3A_7 : vector<16xi32>
    %add3A_231 = arith.constant 278528 : i32
    %add3A_232 = vector.broadcast %add3A_231 : i32 to vector<16xi32>
    %add3A_233 = arith.addi %add3A_230, %add3A_232 : vector<16xi32>
    %swap3A_234 = arith.constant 2 : i32
    %swap3A_235 = arith.index_cast %swap3A_234 : i32 to index
    %swap3A_236 = arith.constant 16 : index
    %swap3A_237 = tpu.vector_load %arg6[%swap3A_235, %swap3A_236] {strides = array<i32>} : memref<8x128xi32, #tpu.memory_space<vmem>>, vector<1x16xi32>,
    %swap3A_238 = vector.shape_cast %swap3A_237 : vector<1x16xi32> to vector<16xi32>
    %swap3A_239 = vector.shape_cast %add3A_233 : vector<16xi32> to vector<1x16xi32>
    tpu.vector_store %arg6[%swap3A_235, %swap3A_236], %swap3A_239 {strides = array<i32>} : memref<8x128xi32, #tpu.memory_space<vmem>>, vector<1x16xi32>,
    %get3A_240 = arith.constant 288 : index
    %get3A_241 = tpu.vector_load %arg5[%get3A_240] {strides = array<i32>} : memref<1024xi32, #tpu.memory_space<vmem>>, vector<16xi32>,
    %get3A_242 = vector.shape_cast %get3A_241 : vector<16xi32> to vector<16xi32>
    %add3A_243 = arith.addi %get3A_242, %mul3A_7 : vector<16xi32>
    %add3A_244 = arith.constant 294912 : i32
    %add3A_245 = vector.broadcast %add3A_244 : i32 to vector<16xi32>
    %add3A_246 = arith.addi %add3A_243, %add3A_245 : vector<16xi32>
    %swap3A_247 = arith.constant 2 : i32
    %swap3A_248 = arith.index_cast %swap3A_247 : i32 to index
    %swap3A_249 = arith.constant 32 : index
    %swap3A_250 = tpu.vector_load %arg6[%swap3A_248, %swap3A_249] {strides = array<i32>} : memref<8x128xi32, #tpu.memory_space<vmem>>, vector<1x16xi32>,
    %swap3A_251 = vector.shape_cast %swap3A_250 : vector<1x16xi32> to vector<16xi32>
    %swap3A_252 = vector.shape_cast %add3A_246 : vector<16xi32> to vector<1x16xi32>
    tpu.vector_store %arg6[%swap3A_248, %swap3A_249], %swap3A_252 {strides = array<i32>} : memref<8x128xi32, #tpu.memory_space<vmem>>, vector<1x16xi32>,
    %get3A_253 = arith.constant 304 : index
    %get3A_254 = tpu.vector_load %arg5[%get3A_253] {strides = array<i32>} : memref<1024xi32, #tpu.memory_space<vmem>>, vector<16xi32>,
    %get3A_255 = vector.shape_cast %get3A_254 : vector<16xi32> to vector<16xi32>
    %add3A_256 = arith.addi %get3A_255, %mul3A_7 : vector<16xi32>
    %add3A_257 = arith.constant 311296 : i32
    %add3A_258 = vector.broadcast %add3A_257 : i32 to vector<16xi32>
    %add3A_259 = arith.addi %add3A_256, %add3A_258 : vector<16xi32>
    %swap3A_260 = arith.constant 2 : i32
    %swap3A_261 = arith.index_cast %swap3A_260 : i32 to index
    %swap3A_262 = arith.constant 48 : index
    %swap3A_263 = tpu.vector_load %arg6[%swap3A_261, %swap3A_262] {strides = array<i32>} : memref<8x128xi32, #tpu.memory_space<vmem>>, vector<1x16xi32>,
    %swap3A_264 = vector.shape_cast %swap3A_263 : vector<1x16xi32> to vector<16xi32>
    %swap3A_265 = vector.shape_cast %add3A_259 : vector<16xi32> to vector<1x16xi32>
    tpu.vector_store %arg6[%swap3A_261, %swap3A_262], %swap3A_265 {strides = array<i32>} : memref<8x128xi32, #tpu.memory_space<vmem>>, vector<1x16xi32>,
    %get3A_266 = arith.constant 320 : index
    %get3A_267 = tpu.vector_load %arg5[%get3A_266] {strides = array<i32>} : memref<1024xi32, #tpu.memory_space<vmem>>, vector<16xi32>,
    %get3A_268 = vector.shape_cast %get3A_267 : vector<16xi32> to vector<16xi32>
    %add3A_269 = arith.addi %get3A_268, %mul3A_7 : vector<16xi32>
    %add3A_270 = arith.constant 327680 : i32
    %add3A_271 = vector.broadcast %add3A_270 : i32 to vector<16xi32>
    %add3A_272 = arith.addi %add3A_269, %add3A_271 : vector<16xi32>
    %swap3A_273 = arith.constant 2 : i32
    %swap3A_274 = arith.index_cast %swap3A_273 : i32 to index
    %swap3A_275 = arith.constant 64 : index
    %swap3A_276 = tpu.vector_load %arg6[%swap3A_274, %swap3A_275] {strides = array<i32>} : memref<8x128xi32, #tpu.memory_space<vmem>>, vector<1x16xi32>,
    %swap3A_277 = vector.shape_cast %swap3A_276 : vector<1x16xi32> to vector<16xi32>
    %swap3A_278 = vector.shape_cast %add3A_272 : vector<16xi32> to vector<1x16xi32>
    tpu.vector_store %arg6[%swap3A_274, %swap3A_275], %swap3A_278 {strides = array<i32>} : memref<8x128xi32, #tpu.memory_space<vmem>>, vector<1x16xi32>,
    %get3A_279 = arith.constant 336 : index
    %get3A_280 = tpu.vector_load %arg5[%get3A_279] {strides = array<i32>} : memref<1024xi32, #tpu.memory_space<vmem>>, vector<16xi32>,
    %get3A_281 = vector.shape_cast %get3A_280 : vector<16xi32> to vector<16xi32>
    %add3A_282 = arith.addi %get3A_281, %mul3A_7 : vector<16xi32>
    %add3A_283 = arith.constant 344064 : i32
    %add3A_284 = vector.broadcast %add3A_283 : i32 to vector<16xi32>
    %add3A_285 = arith.addi %add3A_282, %add3A_284 : vector<16xi32>
    %swap3A_286 = arith.constant 2 : i32
    %swap3A_287 = arith.index_cast %swap3A_286 : i32 to index
    %swap3A_288 = arith.constant 80 : index
    %swap3A_289 = tpu.vector_load %arg6[%swap3A_287, %swap3A_288] {strides = array<i32>} : memref<8x128xi32, #tpu.memory_space<vmem>>, vector<1x16xi32>,
    %swap3A_290 = vector.shape_cast %swap3A_289 : vector<1x16xi32> to vector<16xi32>
    %swap3A_291 = vector.shape_cast %add3A_285 : vector<16xi32> to vector<1x16xi32>
    tpu.vector_store %arg6[%swap3A_287, %swap3A_288], %swap3A_291 {strides = array<i32>} : memref<8x128xi32, #tpu.memory_space<vmem>>, vector<1x16xi32>,
    %get3A_292 = arith.constant 352 : index
    %get3A_293 = tpu.vector_load %arg5[%get3A_292] {strides = array<i32>} : memref<1024xi32, #tpu.memory_space<vmem>>, vector<16xi32>,
    %get3A_294 = vector.shape_cast %get3A_293 : vector<16xi32> to vector<16xi32>
    %add3A_295 = arith.addi %get3A_294, %mul3A_7 : vector<16xi32>
    %add3A_296 = arith.constant 360448 : i32
    %add3A_297 = vector.broadcast %add3A_296 : i32 to vector<16xi32>
    %add3A_298 = arith.addi %add3A_295, %add3A_297 : vector<16xi32>
    %swap3A_299 = arith.constant 2 : i32
    %swap3A_300 = arith.index_cast %swap3A_299 : i32 to index
    %swap3A_301 = arith.constant 96 : index
    %swap3A_302 = tpu.vector_load %arg6[%swap3A_300, %swap3A_301] {strides = array<i32>} : memref<8x128xi32, #tpu.memory_space<vmem>>, vector<1x16xi32>,
    %swap3A_303 = vector.shape_cast %swap3A_302 : vector<1x16xi32> to vector<16xi32>
    %swap3A_304 = vector.shape_cast %add3A_298 : vector<16xi32> to vector<1x16xi32>
    tpu.vector_store %arg6[%swap3A_300, %swap3A_301], %swap3A_304 {strides = array<i32>} : memref<8x128xi32, #tpu.memory_space<vmem>>, vector<1x16xi32>,
    %get3A_305 = arith.constant 368 : index
    %get3A_306 = tpu.vector_load %arg5[%get3A_305] {strides = array<i32>} : memref<1024xi32, #tpu.memory_space<vmem>>, vector<16xi32>,
    %get3A_307 = vector.shape_cast %get3A_306 : vector<16xi32> to vector<16xi32>
    %add3A_308 = arith.addi %get3A_307, %mul3A_7 : vector<16xi32>
    %add3A_309 = arith.constant 376832 : i32
    %add3A_310 = vector.broadcast %add3A_309 : i32 to vector<16xi32>
    %add3A_311 = arith.addi %add3A_308, %add3A_310 : vector<16xi32>
    %swap3A_312 = arith.constant 2 : i32
    %swap3A_313 = arith.index_cast %swap3A_312 : i32 to index
    %swap3A_314 = arith.constant 112 : index
    %swap3A_315 = tpu.vector_load %arg6[%swap3A_313, %swap3A_314] {strides = array<i32>} : memref<8x128xi32, #tpu.memory_space<vmem>>, vector<1x16xi32>,
    %swap3A_316 = vector.shape_cast %swap3A_315 : vector<1x16xi32> to vector<16xi32>
    %swap3A_317 = vector.shape_cast %add3A_311 : vector<16xi32> to vector<1x16xi32>
    tpu.vector_store %arg6[%swap3A_313, %swap3A_314], %swap3A_317 {strides = array<i32>} : memref<8x128xi32, #tpu.memory_space<vmem>>, vector<1x16xi32>,
    %get3A_318 = arith.constant 384 : index
    %get3A_319 = tpu.vector_load %arg5[%get3A_318] {strides = array<i32>} : memref<1024xi32, #tpu.memory_space<vmem>>, vector<16xi32>,
    %get3A_320 = vector.shape_cast %get3A_319 : vector<16xi32> to vector<16xi32>
    %add3A_321 = arith.addi %get3A_320, %mul3A_7 : vector<16xi32>
    %add3A_322 = arith.constant 393216 : i32
    %add3A_323 = vector.broadcast %add3A_322 : i32 to vector<16xi32>
    %add3A_324 = arith.addi %add3A_321, %add3A_323 : vector<16xi32>
    %swap3A_325 = arith.constant 3 : i32
    %swap3A_326 = arith.index_cast %swap3A_325 : i32 to index
    %swap3A_327 = arith.constant 0 : index
    %swap3A_328 = tpu.vector_load %arg6[%swap3A_326, %swap3A_327] {strides = array<i32>} : memref<8x128xi32, #tpu.memory_space<vmem>>, vector<1x16xi32>,
    %swap3A_329 = vector.shape_cast %swap3A_328 : vector<1x16xi32> to vector<16xi32>
    %swap3A_330 = vector.shape_cast %add3A_324 : vector<16xi32> to vector<1x16xi32>
    tpu.vector_store %arg6[%swap3A_326, %swap3A_327], %swap3A_330 {strides = array<i32>} : memref<8x128xi32, #tpu.memory_space<vmem>>, vector<1x16xi32>,
    %get3A_331 = arith.constant 400 : index
    %get3A_332 = tpu.vector_load %arg5[%get3A_331] {strides = array<i32>} : memref<1024xi32, #tpu.memory_space<vmem>>, vector<16xi32>,
    %get3A_333 = vector.shape_cast %get3A_332 : vector<16xi32> to vector<16xi32>
    %add3A_334 = arith.addi %get3A_333, %mul3A_7 : vector<16xi32>
    %add3A_335 = arith.constant 409600 : i32
    %add3A_336 = vector.broadcast %add3A_335 : i32 to vector<16xi32>
    %add3A_337 = arith.addi %add3A_334, %add3A_336 : vector<16xi32>
    %swap3A_338 = arith.constant 3 : i32
    %swap3A_339 = arith.index_cast %swap3A_338 : i32 to index
    %swap3A_340 = arith.constant 16 : index
    %swap3A_341 = tpu.vector_load %arg6[%swap3A_339, %swap3A_340] {strides = array<i32>} : memref<8x128xi32, #tpu.memory_space<vmem>>, vector<1x16xi32>,
    %swap3A_342 = vector.shape_cast %swap3A_341 : vector<1x16xi32> to vector<16xi32>
    %swap3A_343 = vector.shape_cast %add3A_337 : vector<16xi32> to vector<1x16xi32>
    tpu.vector_store %arg6[%swap3A_339, %swap3A_340], %swap3A_343 {strides = array<i32>} : memref<8x128xi32, #tpu.memory_space<vmem>>, vector<1x16xi32>,
    %get3A_344 = arith.constant 416 : index
    %get3A_345 = tpu.vector_load %arg5[%get3A_344] {strides = array<i32>} : memref<1024xi32, #tpu.memory_space<vmem>>, vector<16xi32>,
    %get3A_346 = vector.shape_cast %get3A_345 : vector<16xi32> to vector<16xi32>
    %add3A_347 = arith.addi %get3A_346, %mul3A_7 : vector<16xi32>
    %add3A_348 = arith.constant 425984 : i32
    %add3A_349 = vector.broadcast %add3A_348 : i32 to vector<16xi32>
    %add3A_350 = arith.addi %add3A_347, %add3A_349 : vector<16xi32>
    %swap3A_351 = arith.constant 3 : i32
    %swap3A_352 = arith.index_cast %swap3A_351 : i32 to index
    %swap3A_353 = arith.constant 32 : index
    %swap3A_354 = tpu.vector_load %arg6[%swap3A_352, %swap3A_353] {strides = array<i32>} : memref<8x128xi32, #tpu.memory_space<vmem>>, vector<1x16xi32>,
    %swap3A_355 = vector.shape_cast %swap3A_354 : vector<1x16xi32> to vector<16xi32>
    %swap3A_356 = vector.shape_cast %add3A_350 : vector<16xi32> to vector<1x16xi32>
    tpu.vector_store %arg6[%swap3A_352, %swap3A_353], %swap3A_356 {strides = array<i32>} : memref<8x128xi32, #tpu.memory_space<vmem>>, vector<1x16xi32>,
    %get3A_357 = arith.constant 432 : index
    %get3A_358 = tpu.vector_load %arg5[%get3A_357] {strides = array<i32>} : memref<1024xi32, #tpu.memory_space<vmem>>, vector<16xi32>,
    %get3A_359 = vector.shape_cast %get3A_358 : vector<16xi32> to vector<16xi32>
    %add3A_360 = arith.addi %get3A_359, %mul3A_7 : vector<16xi32>
    %add3A_361 = arith.constant 442368 : i32
    %add3A_362 = vector.broadcast %add3A_361 : i32 to vector<16xi32>
    %add3A_363 = arith.addi %add3A_360, %add3A_362 : vector<16xi32>
    %swap3A_364 = arith.constant 3 : i32
    %swap3A_365 = arith.index_cast %swap3A_364 : i32 to index
    %swap3A_366 = arith.constant 48 : index
    %swap3A_367 = tpu.vector_load %arg6[%swap3A_365, %swap3A_366] {strides = array<i32>} : memref<8x128xi32, #tpu.memory_space<vmem>>, vector<1x16xi32>,
    %swap3A_368 = vector.shape_cast %swap3A_367 : vector<1x16xi32> to vector<16xi32>
    %swap3A_369 = vector.shape_cast %add3A_363 : vector<16xi32> to vector<1x16xi32>
    tpu.vector_store %arg6[%swap3A_365, %swap3A_366], %swap3A_369 {strides = array<i32>} : memref<8x128xi32, #tpu.memory_space<vmem>>, vector<1x16xi32>,
    %get3A_370 = arith.constant 448 : index
    %get3A_371 = tpu.vector_load %arg5[%get3A_370] {strides = array<i32>} : memref<1024xi32, #tpu.memory_space<vmem>>, vector<16xi32>,
    %get3A_372 = vector.shape_cast %get3A_371 : vector<16xi32> to vector<16xi32>
    %add3A_373 = arith.addi %get3A_372, %mul3A_7 : vector<16xi32>
    %add3A_374 = arith.constant 458752 : i32
    %add3A_375 = vector.broadcast %add3A_374 : i32 to vector<16xi32>
    %add3A_376 = arith.addi %add3A_373, %add3A_375 : vector<16xi32>
    %swap3A_377 = arith.constant 3 : i32
    %swap3A_378 = arith.index_cast %swap3A_377 : i32 to index
    %swap3A_379 = arith.constant 64 : index
    %swap3A_380 = tpu.vector_load %arg6[%swap3A_378, %swap3A_379] {strides = array<i32>} : memref<8x128xi32, #tpu.memory_space<vmem>>, vector<1x16xi32>,
    %swap3A_381 = vector.shape_cast %swap3A_380 : vector<1x16xi32> to vector<16xi32>
    %swap3A_382 = vector.shape_cast %add3A_376 : vector<16xi32> to vector<1x16xi32>
    tpu.vector_store %arg6[%swap3A_378, %swap3A_379], %swap3A_382 {strides = array<i32>} : memref<8x128xi32, #tpu.memory_space<vmem>>, vector<1x16xi32>,
    %get3A_383 = arith.constant 464 : index
    %get3A_384 = tpu.vector_load %arg5[%get3A_383] {strides = array<i32>} : memref<1024xi32, #tpu.memory_space<vmem>>, vector<16xi32>,
    %get3A_385 = vector.shape_cast %get3A_384 : vector<16xi32> to vector<16xi32>
    %add3A_386 = arith.addi %get3A_385, %mul3A_7 : vector<16xi32>
    %add3A_387 = arith.constant 475136 : i32
    %add3A_388 = vector.broadcast %add3A_387 : i32 to vector<16xi32>
    %add3A_389 = arith.addi %add3A_386, %add3A_388 : vector<16xi32>
    %swap3A_390 = arith.constant 3 : i32
    %swap3A_391 = arith.index_cast %swap3A_390 : i32 to index
    %swap3A_392 = arith.constant 80 : index
    %swap3A_393 = tpu.vector_load %arg6[%swap3A_391, %swap3A_392] {strides = array<i32>} : memref<8x128xi32, #tpu.memory_space<vmem>>, vector<1x16xi32>,
    %swap3A_394 = vector.shape_cast %swap3A_393 : vector<1x16xi32> to vector<16xi32>
    %swap3A_395 = vector.shape_cast %add3A_389 : vector<16xi32> to vector<1x16xi32>
    tpu.vector_store %arg6[%swap3A_391, %swap3A_392], %swap3A_395 {strides = array<i32>} : memref<8x128xi32, #tpu.memory_space<vmem>>, vector<1x16xi32>,
    %get3A_396 = arith.constant 480 : index
    %get3A_397 = tpu.vector_load %arg5[%get3A_396] {strides = array<i32>} : memref<1024xi32, #tpu.memory_space<vmem>>, vector<16xi32>,
    %get3A_398 = vector.shape_cast %get3A_397 : vector<16xi32> to vector<16xi32>
    %add3A_399 = arith.addi %get3A_398, %mul3A_7 : vector<16xi32>
    %add3A_400 = arith.constant 491520 : i32
    %add3A_401 = vector.broadcast %add3A_400 : i32 to vector<16xi32>
    %add3A_402 = arith.addi %add3A_399, %add3A_401 : vector<16xi32>
    %swap3A_403 = arith.constant 3 : i32
    %swap3A_404 = arith.index_cast %swap3A_403 : i32 to index
    %swap3A_405 = arith.constant 96 : index
    %swap3A_406 = tpu.vector_load %arg6[%swap3A_404, %swap3A_405] {strides = array<i32>} : memref<8x128xi32, #tpu.memory_space<vmem>>, vector<1x16xi32>,
    %swap3A_407 = vector.shape_cast %swap3A_406 : vector<1x16xi32> to vector<16xi32>
    %swap3A_408 = vector.shape_cast %add3A_402 : vector<16xi32> to vector<1x16xi32>
    tpu.vector_store %arg6[%swap3A_404, %swap3A_405], %swap3A_408 {strides = array<i32>} : memref<8x128xi32, #tpu.memory_space<vmem>>, vector<1x16xi32>,
    %get3A_409 = arith.constant 496 : index
    %get3A_410 = tpu.vector_load %arg5[%get3A_409] {strides = array<i32>} : memref<1024xi32, #tpu.memory_space<vmem>>, vector<16xi32>,
    %get3A_411 = vector.shape_cast %get3A_410 : vector<16xi32> to vector<16xi32>
    %add3A_412 = arith.addi %get3A_411, %mul3A_7 : vector<16xi32>
    %add3A_413 = arith.constant 507904 : i32
    %add3A_414 = vector.broadcast %add3A_413 : i32 to vector<16xi32>
    %add3A_415 = arith.addi %add3A_412, %add3A_414 : vector<16xi32>
    %swap3A_416 = arith.constant 3 : i32
    %swap3A_417 = arith.index_cast %swap3A_416 : i32 to index
    %swap3A_418 = arith.constant 112 : index
    %swap3A_419 = tpu.vector_load %arg6[%swap3A_417, %swap3A_418] {strides = array<i32>} : memref<8x128xi32, #tpu.memory_space<vmem>>, vector<1x16xi32>,
    %swap3A_420 = vector.shape_cast %swap3A_419 : vector<1x16xi32> to vector<16xi32>
    %swap3A_421 = vector.shape_cast %add3A_415 : vector<16xi32> to vector<1x16xi32>
    tpu.vector_store %arg6[%swap3A_417, %swap3A_418], %swap3A_421 {strides = array<i32>} : memref<8x128xi32, #tpu.memory_space<vmem>>, vector<1x16xi32>,
    %get3A_422 = arith.constant 512 : index
    %get3A_423 = tpu.vector_load %arg5[%get3A_422] {strides = array<i32>} : memref<1024xi32, #tpu.memory_space<vmem>>, vector<16xi32>,
    %get3A_424 = vector.shape_cast %get3A_423 : vector<16xi32> to vector<16xi32>
    %add3A_425 = arith.addi %get3A_424, %mul3A_7 : vector<16xi32>
    %add3A_426 = arith.constant 524288 : i32
    %add3A_427 = vector.broadcast %add3A_426 : i32 to vector<16xi32>
    %add3A_428 = arith.addi %add3A_425, %add3A_427 : vector<16xi32>
    %swap3A_429 = arith.constant 4 : i32
    %swap3A_430 = arith.index_cast %swap3A_429 : i32 to index
    %swap3A_431 = arith.constant 0 : index
    %swap3A_432 = tpu.vector_load %arg6[%swap3A_430, %swap3A_431] {strides = array<i32>} : memref<8x128xi32, #tpu.memory_space<vmem>>, vector<1x16xi32>,
    %swap3A_433 = vector.shape_cast %swap3A_432 : vector<1x16xi32> to vector<16xi32>
    %swap3A_434 = vector.shape_cast %add3A_428 : vector<16xi32> to vector<1x16xi32>
    tpu.vector_store %arg6[%swap3A_430, %swap3A_431], %swap3A_434 {strides = array<i32>} : memref<8x128xi32, #tpu.memory_space<vmem>>, vector<1x16xi32>,
    %get3A_435 = arith.constant 528 : index
    %get3A_436 = tpu.vector_load %arg5[%get3A_435] {strides = array<i32>} : memref<1024xi32, #tpu.memory_space<vmem>>, vector<16xi32>,
    %get3A_437 = vector.shape_cast %get3A_436 : vector<16xi32> to vector<16xi32>
    %add3A_438 = arith.addi %get3A_437, %mul3A_7 : vector<16xi32>
    %add3A_439 = arith.constant 540672 : i32
    %add3A_440 = vector.broadcast %add3A_439 : i32 to vector<16xi32>
    %add3A_441 = arith.addi %add3A_438, %add3A_440 : vector<16xi32>
    %swap3A_442 = arith.constant 4 : i32
    %swap3A_443 = arith.index_cast %swap3A_442 : i32 to index
    %swap3A_444 = arith.constant 16 : index
    %swap3A_445 = tpu.vector_load %arg6[%swap3A_443, %swap3A_444] {strides = array<i32>} : memref<8x128xi32, #tpu.memory_space<vmem>>, vector<1x16xi32>,
    %swap3A_446 = vector.shape_cast %swap3A_445 : vector<1x16xi32> to vector<16xi32>
    %swap3A_447 = vector.shape_cast %add3A_441 : vector<16xi32> to vector<1x16xi32>
    tpu.vector_store %arg6[%swap3A_443, %swap3A_444], %swap3A_447 {strides = array<i32>} : memref<8x128xi32, #tpu.memory_space<vmem>>, vector<1x16xi32>,
    %get3A_448 = arith.constant 544 : index
    %get3A_449 = tpu.vector_load %arg5[%get3A_448] {strides = array<i32>} : memref<1024xi32, #tpu.memory_space<vmem>>, vector<16xi32>,
    %get3A_450 = vector.shape_cast %get3A_449 : vector<16xi32> to vector<16xi32>
    %add3A_451 = arith.addi %get3A_450, %mul3A_7 : vector<16xi32>
    %add3A_452 = arith.constant 557056 : i32
    %add3A_453 = vector.broadcast %add3A_452 : i32 to vector<16xi32>
    %add3A_454 = arith.addi %add3A_451, %add3A_453 : vector<16xi32>
    %swap3A_455 = arith.constant 4 : i32
    %swap3A_456 = arith.index_cast %swap3A_455 : i32 to index
    %swap3A_457 = arith.constant 32 : index
    %swap3A_458 = tpu.vector_load %arg6[%swap3A_456, %swap3A_457] {strides = array<i32>} : memref<8x128xi32, #tpu.memory_space<vmem>>, vector<1x16xi32>,
    %swap3A_459 = vector.shape_cast %swap3A_458 : vector<1x16xi32> to vector<16xi32>
    %swap3A_460 = vector.shape_cast %add3A_454 : vector<16xi32> to vector<1x16xi32>
    tpu.vector_store %arg6[%swap3A_456, %swap3A_457], %swap3A_460 {strides = array<i32>} : memref<8x128xi32, #tpu.memory_space<vmem>>, vector<1x16xi32>,
    %get3A_461 = arith.constant 560 : index
    %get3A_462 = tpu.vector_load %arg5[%get3A_461] {strides = array<i32>} : memref<1024xi32, #tpu.memory_space<vmem>>, vector<16xi32>,
    %get3A_463 = vector.shape_cast %get3A_462 : vector<16xi32> to vector<16xi32>
    %add3A_464 = arith.addi %get3A_463, %mul3A_7 : vector<16xi32>
    %add3A_465 = arith.constant 573440 : i32
    %add3A_466 = vector.broadcast %add3A_465 : i32 to vector<16xi32>
    %add3A_467 = arith.addi %add3A_464, %add3A_466 : vector<16xi32>
    %swap3A_468 = arith.constant 4 : i32
    %swap3A_469 = arith.index_cast %swap3A_468 : i32 to index
    %swap3A_470 = arith.constant 48 : index
    %swap3A_471 = tpu.vector_load %arg6[%swap3A_469, %swap3A_470] {strides = array<i32>} : memref<8x128xi32, #tpu.memory_space<vmem>>, vector<1x16xi32>,
    %swap3A_472 = vector.shape_cast %swap3A_471 : vector<1x16xi32> to vector<16xi32>
    %swap3A_473 = vector.shape_cast %add3A_467 : vector<16xi32> to vector<1x16xi32>
    tpu.vector_store %arg6[%swap3A_469, %swap3A_470], %swap3A_473 {strides = array<i32>} : memref<8x128xi32, #tpu.memory_space<vmem>>, vector<1x16xi32>,
    %get3A_474 = arith.constant 576 : index
    %get3A_475 = tpu.vector_load %arg5[%get3A_474] {strides = array<i32>} : memref<1024xi32, #tpu.memory_space<vmem>>, vector<16xi32>,
    %get3A_476 = vector.shape_cast %get3A_475 : vector<16xi32> to vector<16xi32>
    %add3A_477 = arith.addi %get3A_476, %mul3A_7 : vector<16xi32>
    %add3A_478 = arith.constant 589824 : i32
    %add3A_479 = vector.broadcast %add3A_478 : i32 to vector<16xi32>
    %add3A_480 = arith.addi %add3A_477, %add3A_479 : vector<16xi32>
    %swap3A_481 = arith.constant 4 : i32
    %swap3A_482 = arith.index_cast %swap3A_481 : i32 to index
    %swap3A_483 = arith.constant 64 : index
    %swap3A_484 = tpu.vector_load %arg6[%swap3A_482, %swap3A_483] {strides = array<i32>} : memref<8x128xi32, #tpu.memory_space<vmem>>, vector<1x16xi32>,
    %swap3A_485 = vector.shape_cast %swap3A_484 : vector<1x16xi32> to vector<16xi32>
    %swap3A_486 = vector.shape_cast %add3A_480 : vector<16xi32> to vector<1x16xi32>
    tpu.vector_store %arg6[%swap3A_482, %swap3A_483], %swap3A_486 {strides = array<i32>} : memref<8x128xi32, #tpu.memory_space<vmem>>, vector<1x16xi32>,
    %get3A_487 = arith.constant 592 : index
    %get3A_488 = tpu.vector_load %arg5[%get3A_487] {strides = array<i32>} : memref<1024xi32, #tpu.memory_space<vmem>>, vector<16xi32>,
    %get3A_489 = vector.shape_cast %get3A_488 : vector<16xi32> to vector<16xi32>
    %add3A_490 = arith.addi %get3A_489, %mul3A_7 : vector<16xi32>
    %add3A_491 = arith.constant 606208 : i32
    %add3A_492 = vector.broadcast %add3A_491 : i32 to vector<16xi32>
    %add3A_493 = arith.addi %add3A_490, %add3A_492 : vector<16xi32>
    %swap3A_494 = arith.constant 4 : i32
    %swap3A_495 = arith.index_cast %swap3A_494 : i32 to index
    %swap3A_496 = arith.constant 80 : index
    %swap3A_497 = tpu.vector_load %arg6[%swap3A_495, %swap3A_496] {strides = array<i32>} : memref<8x128xi32, #tpu.memory_space<vmem>>, vector<1x16xi32>,
    %swap3A_498 = vector.shape_cast %swap3A_497 : vector<1x16xi32> to vector<16xi32>
    %swap3A_499 = vector.shape_cast %add3A_493 : vector<16xi32> to vector<1x16xi32>
    tpu.vector_store %arg6[%swap3A_495, %swap3A_496], %swap3A_499 {strides = array<i32>} : memref<8x128xi32, #tpu.memory_space<vmem>>, vector<1x16xi32>,
    %get3A_500 = arith.constant 608 : index
    %get3A_501 = tpu.vector_load %arg5[%get3A_500] {strides = array<i32>} : memref<1024xi32, #tpu.memory_space<vmem>>, vector<16xi32>,
    %get3A_502 = vector.shape_cast %get3A_501 : vector<16xi32> to vector<16xi32>
    %add3A_503 = arith.addi %get3A_502, %mul3A_7 : vector<16xi32>
    %add3A_504 = arith.constant 622592 : i32
    %add3A_505 = vector.broadcast %add3A_504 : i32 to vector<16xi32>
    %add3A_506 = arith.addi %add3A_503, %add3A_505 : vector<16xi32>
    %swap3A_507 = arith.constant 4 : i32
    %swap3A_508 = arith.index_cast %swap3A_507 : i32 to index
    %swap3A_509 = arith.constant 96 : index
    %swap3A_510 = tpu.vector_load %arg6[%swap3A_508, %swap3A_509] {strides = array<i32>} : memref<8x128xi32, #tpu.memory_space<vmem>>, vector<1x16xi32>,
    %swap3A_511 = vector.shape_cast %swap3A_510 : vector<1x16xi32> to vector<16xi32>
    %swap3A_512 = vector.shape_cast %add3A_506 : vector<16xi32> to vector<1x16xi32>
    tpu.vector_store %arg6[%swap3A_508, %swap3A_509], %swap3A_512 {strides = array<i32>} : memref<8x128xi32, #tpu.memory_space<vmem>>, vector<1x16xi32>,
    %get3A_513 = arith.constant 624 : index
    %get3A_514 = tpu.vector_load %arg5[%get3A_513] {strides = array<i32>} : memref<1024xi32, #tpu.memory_space<vmem>>, vector<16xi32>,
    %get3A_515 = vector.shape_cast %get3A_514 : vector<16xi32> to vector<16xi32>
    %add3A_516 = arith.addi %get3A_515, %mul3A_7 : vector<16xi32>
    %add3A_517 = arith.constant 638976 : i32
    %add3A_518 = vector.broadcast %add3A_517 : i32 to vector<16xi32>
    %add3A_519 = arith.addi %add3A_516, %add3A_518 : vector<16xi32>
    %swap3A_520 = arith.constant 4 : i32
    %swap3A_521 = arith.index_cast %swap3A_520 : i32 to index
    %swap3A_522 = arith.constant 112 : index
    %swap3A_523 = tpu.vector_load %arg6[%swap3A_521, %swap3A_522] {strides = array<i32>} : memref<8x128xi32, #tpu.memory_space<vmem>>, vector<1x16xi32>,
    %swap3A_524 = vector.shape_cast %swap3A_523 : vector<1x16xi32> to vector<16xi32>
    %swap3A_525 = vector.shape_cast %add3A_519 : vector<16xi32> to vector<1x16xi32>
    tpu.vector_store %arg6[%swap3A_521, %swap3A_522], %swap3A_525 {strides = array<i32>} : memref<8x128xi32, #tpu.memory_space<vmem>>, vector<1x16xi32>,
    %get3A_526 = arith.constant 640 : index
    %get3A_527 = tpu.vector_load %arg5[%get3A_526] {strides = array<i32>} : memref<1024xi32, #tpu.memory_space<vmem>>, vector<16xi32>,
    %get3A_528 = vector.shape_cast %get3A_527 : vector<16xi32> to vector<16xi32>
    %add3A_529 = arith.addi %get3A_528, %mul3A_7 : vector<16xi32>
    %add3A_530 = arith.constant 655360 : i32
    %add3A_531 = vector.broadcast %add3A_530 : i32 to vector<16xi32>
    %add3A_532 = arith.addi %add3A_529, %add3A_531 : vector<16xi32>
    %swap3A_533 = arith.constant 5 : i32
    %swap3A_534 = arith.index_cast %swap3A_533 : i32 to index
    %swap3A_535 = arith.constant 0 : index
    %swap3A_536 = tpu.vector_load %arg6[%swap3A_534, %swap3A_535] {strides = array<i32>} : memref<8x128xi32, #tpu.memory_space<vmem>>, vector<1x16xi32>,
    %swap3A_537 = vector.shape_cast %swap3A_536 : vector<1x16xi32> to vector<16xi32>
    %swap3A_538 = vector.shape_cast %add3A_532 : vector<16xi32> to vector<1x16xi32>
    tpu.vector_store %arg6[%swap3A_534, %swap3A_535], %swap3A_538 {strides = array<i32>} : memref<8x128xi32, #tpu.memory_space<vmem>>, vector<1x16xi32>,
    %get3A_539 = arith.constant 656 : index
    %get3A_540 = tpu.vector_load %arg5[%get3A_539] {strides = array<i32>} : memref<1024xi32, #tpu.memory_space<vmem>>, vector<16xi32>,
    %get3A_541 = vector.shape_cast %get3A_540 : vector<16xi32> to vector<16xi32>
    %add3A_542 = arith.addi %get3A_541, %mul3A_7 : vector<16xi32>
    %add3A_543 = arith.constant 671744 : i32
    %add3A_544 = vector.broadcast %add3A_543 : i32 to vector<16xi32>
    %add3A_545 = arith.addi %add3A_542, %add3A_544 : vector<16xi32>
    %swap3A_546 = arith.constant 5 : i32
    %swap3A_547 = arith.index_cast %swap3A_546 : i32 to index
    %swap3A_548 = arith.constant 16 : index
    %swap3A_549 = tpu.vector_load %arg6[%swap3A_547, %swap3A_548] {strides = array<i32>} : memref<8x128xi32, #tpu.memory_space<vmem>>, vector<1x16xi32>,
    %swap3A_550 = vector.shape_cast %swap3A_549 : vector<1x16xi32> to vector<16xi32>
    %swap3A_551 = vector.shape_cast %add3A_545 : vector<16xi32> to vector<1x16xi32>
    tpu.vector_store %arg6[%swap3A_547, %swap3A_548], %swap3A_551 {strides = array<i32>} : memref<8x128xi32, #tpu.memory_space<vmem>>, vector<1x16xi32>,
    %get3A_552 = arith.constant 672 : index
    %get3A_553 = tpu.vector_load %arg5[%get3A_552] {strides = array<i32>} : memref<1024xi32, #tpu.memory_space<vmem>>, vector<16xi32>,
    %get3A_554 = vector.shape_cast %get3A_553 : vector<16xi32> to vector<16xi32>
    %add3A_555 = arith.addi %get3A_554, %mul3A_7 : vector<16xi32>
    %add3A_556 = arith.constant 688128 : i32
    %add3A_557 = vector.broadcast %add3A_556 : i32 to vector<16xi32>
    %add3A_558 = arith.addi %add3A_555, %add3A_557 : vector<16xi32>
    %swap3A_559 = arith.constant 5 : i32
    %swap3A_560 = arith.index_cast %swap3A_559 : i32 to index
    %swap3A_561 = arith.constant 32 : index
    %swap3A_562 = tpu.vector_load %arg6[%swap3A_560, %swap3A_561] {strides = array<i32>} : memref<8x128xi32, #tpu.memory_space<vmem>>, vector<1x16xi32>,
    %swap3A_563 = vector.shape_cast %swap3A_562 : vector<1x16xi32> to vector<16xi32>
    %swap3A_564 = vector.shape_cast %add3A_558 : vector<16xi32> to vector<1x16xi32>
    tpu.vector_store %arg6[%swap3A_560, %swap3A_561], %swap3A_564 {strides = array<i32>} : memref<8x128xi32, #tpu.memory_space<vmem>>, vector<1x16xi32>,
    %get3A_565 = arith.constant 688 : index
    %get3A_566 = tpu.vector_load %arg5[%get3A_565] {strides = array<i32>} : memref<1024xi32, #tpu.memory_space<vmem>>, vector<16xi32>,
    %get3A_567 = vector.shape_cast %get3A_566 : vector<16xi32> to vector<16xi32>
    %add3A_568 = arith.addi %get3A_567, %mul3A_7 : vector<16xi32>
    %add3A_569 = arith.constant 704512 : i32
    %add3A_570 = vector.broadcast %add3A_569 : i32 to vector<16xi32>
    %add3A_571 = arith.addi %add3A_568, %add3A_570 : vector<16xi32>
    %swap3A_572 = arith.constant 5 : i32
    %swap3A_573 = arith.index_cast %swap3A_572 : i32 to index
    %swap3A_574 = arith.constant 48 : index
    %swap3A_575 = tpu.vector_load %arg6[%swap3A_573, %swap3A_574] {strides = array<i32>} : memref<8x128xi32, #tpu.memory_space<vmem>>, vector<1x16xi32>,
    %swap3A_576 = vector.shape_cast %swap3A_575 : vector<1x16xi32> to vector<16xi32>
    %swap3A_577 = vector.shape_cast %add3A_571 : vector<16xi32> to vector<1x16xi32>
    tpu.vector_store %arg6[%swap3A_573, %swap3A_574], %swap3A_577 {strides = array<i32>} : memref<8x128xi32, #tpu.memory_space<vmem>>, vector<1x16xi32>,
    %get3A_578 = arith.constant 704 : index
    %get3A_579 = tpu.vector_load %arg5[%get3A_578] {strides = array<i32>} : memref<1024xi32, #tpu.memory_space<vmem>>, vector<16xi32>,
    %get3A_580 = vector.shape_cast %get3A_579 : vector<16xi32> to vector<16xi32>
    %add3A_581 = arith.addi %get3A_580, %mul3A_7 : vector<16xi32>
    %add3A_582 = arith.constant 720896 : i32
    %add3A_583 = vector.broadcast %add3A_582 : i32 to vector<16xi32>
    %add3A_584 = arith.addi %add3A_581, %add3A_583 : vector<16xi32>
    %swap3A_585 = arith.constant 5 : i32
    %swap3A_586 = arith.index_cast %swap3A_585 : i32 to index
    %swap3A_587 = arith.constant 64 : index
    %swap3A_588 = tpu.vector_load %arg6[%swap3A_586, %swap3A_587] {strides = array<i32>} : memref<8x128xi32, #tpu.memory_space<vmem>>, vector<1x16xi32>,
    %swap3A_589 = vector.shape_cast %swap3A_588 : vector<1x16xi32> to vector<16xi32>
    %swap3A_590 = vector.shape_cast %add3A_584 : vector<16xi32> to vector<1x16xi32>
    tpu.vector_store %arg6[%swap3A_586, %swap3A_587], %swap3A_590 {strides = array<i32>} : memref<8x128xi32, #tpu.memory_space<vmem>>, vector<1x16xi32>,
    %get3A_591 = arith.constant 720 : index
    %get3A_592 = tpu.vector_load %arg5[%get3A_591] {strides = array<i32>} : memref<1024xi32, #tpu.memory_space<vmem>>, vector<16xi32>,
    %get3A_593 = vector.shape_cast %get3A_592 : vector<16xi32> to vector<16xi32>
    %add3A_594 = arith.addi %get3A_593, %mul3A_7 : vector<16xi32>
    %add3A_595 = arith.constant 737280 : i32
    %add3A_596 = vector.broadcast %add3A_595 : i32 to vector<16xi32>
    %add3A_597 = arith.addi %add3A_594, %add3A_596 : vector<16xi32>
    %swap3A_598 = arith.constant 5 : i32
    %swap3A_599 = arith.index_cast %swap3A_598 : i32 to index
    %swap3A_600 = arith.constant 80 : index
    %swap3A_601 = tpu.vector_load %arg6[%swap3A_599, %swap3A_600] {strides = array<i32>} : memref<8x128xi32, #tpu.memory_space<vmem>>, vector<1x16xi32>,
    %swap3A_602 = vector.shape_cast %swap3A_601 : vector<1x16xi32> to vector<16xi32>
    %swap3A_603 = vector.shape_cast %add3A_597 : vector<16xi32> to vector<1x16xi32>
    tpu.vector_store %arg6[%swap3A_599, %swap3A_600], %swap3A_603 {strides = array<i32>} : memref<8x128xi32, #tpu.memory_space<vmem>>, vector<1x16xi32>,
    %get3A_604 = arith.constant 736 : index
    %get3A_605 = tpu.vector_load %arg5[%get3A_604] {strides = array<i32>} : memref<1024xi32, #tpu.memory_space<vmem>>, vector<16xi32>,
    %get3A_606 = vector.shape_cast %get3A_605 : vector<16xi32> to vector<16xi32>
    %add3A_607 = arith.addi %get3A_606, %mul3A_7 : vector<16xi32>
    %add3A_608 = arith.constant 753664 : i32
    %add3A_609 = vector.broadcast %add3A_608 : i32 to vector<16xi32>
    %add3A_610 = arith.addi %add3A_607, %add3A_609 : vector<16xi32>
    %swap3A_611 = arith.constant 5 : i32
    %swap3A_612 = arith.index_cast %swap3A_611 : i32 to index
    %swap3A_613 = arith.constant 96 : index
    %swap3A_614 = tpu.vector_load %arg6[%swap3A_612, %swap3A_613] {strides = array<i32>} : memref<8x128xi32, #tpu.memory_space<vmem>>, vector<1x16xi32>,
    %swap3A_615 = vector.shape_cast %swap3A_614 : vector<1x16xi32> to vector<16xi32>
    %swap3A_616 = vector.shape_cast %add3A_610 : vector<16xi32> to vector<1x16xi32>
    tpu.vector_store %arg6[%swap3A_612, %swap3A_613], %swap3A_616 {strides = array<i32>} : memref<8x128xi32, #tpu.memory_space<vmem>>, vector<1x16xi32>,
    %get3A_617 = arith.constant 752 : index
    %get3A_618 = tpu.vector_load %arg5[%get3A_617] {strides = array<i32>} : memref<1024xi32, #tpu.memory_space<vmem>>, vector<16xi32>,
    %get3A_619 = vector.shape_cast %get3A_618 : vector<16xi32> to vector<16xi32>
    %add3A_620 = arith.addi %get3A_619, %mul3A_7 : vector<16xi32>
    %add3A_621 = arith.constant 770048 : i32
    %add3A_622 = vector.broadcast %add3A_621 : i32 to vector<16xi32>
    %add3A_623 = arith.addi %add3A_620, %add3A_622 : vector<16xi32>
    %swap3A_624 = arith.constant 5 : i32
    %swap3A_625 = arith.index_cast %swap3A_624 : i32 to index
    %swap3A_626 = arith.constant 112 : index
    %swap3A_627 = tpu.vector_load %arg6[%swap3A_625, %swap3A_626] {strides = array<i32>} : memref<8x128xi32, #tpu.memory_space<vmem>>, vector<1x16xi32>,
    %swap3A_628 = vector.shape_cast %swap3A_627 : vector<1x16xi32> to vector<16xi32>
    %swap3A_629 = vector.shape_cast %add3A_623 : vector<16xi32> to vector<1x16xi32>
    tpu.vector_store %arg6[%swap3A_625, %swap3A_626], %swap3A_629 {strides = array<i32>} : memref<8x128xi32, #tpu.memory_space<vmem>>, vector<1x16xi32>,
    %get3A_630 = arith.constant 768 : index
    %get3A_631 = tpu.vector_load %arg5[%get3A_630] {strides = array<i32>} : memref<1024xi32, #tpu.memory_space<vmem>>, vector<16xi32>,
    %get3A_632 = vector.shape_cast %get3A_631 : vector<16xi32> to vector<16xi32>
    %add3A_633 = arith.addi %get3A_632, %mul3A_7 : vector<16xi32>
    %add3A_634 = arith.constant 786432 : i32
    %add3A_635 = vector.broadcast %add3A_634 : i32 to vector<16xi32>
    %add3A_636 = arith.addi %add3A_633, %add3A_635 : vector<16xi32>
    %swap3A_637 = arith.constant 6 : i32
    %swap3A_638 = arith.index_cast %swap3A_637 : i32 to index
    %swap3A_639 = arith.constant 0 : index
    %swap3A_640 = tpu.vector_load %arg6[%swap3A_638, %swap3A_639] {strides = array<i32>} : memref<8x128xi32, #tpu.memory_space<vmem>>, vector<1x16xi32>,
    %swap3A_641 = vector.shape_cast %swap3A_640 : vector<1x16xi32> to vector<16xi32>
    %swap3A_642 = vector.shape_cast %add3A_636 : vector<16xi32> to vector<1x16xi32>
    tpu.vector_store %arg6[%swap3A_638, %swap3A_639], %swap3A_642 {strides = array<i32>} : memref<8x128xi32, #tpu.memory_space<vmem>>, vector<1x16xi32>,
    %get3A_643 = arith.constant 784 : index
    %get3A_644 = tpu.vector_load %arg5[%get3A_643] {strides = array<i32>} : memref<1024xi32, #tpu.memory_space<vmem>>, vector<16xi32>,
    %get3A_645 = vector.shape_cast %get3A_644 : vector<16xi32> to vector<16xi32>
    %add3A_646 = arith.addi %get3A_645, %mul3A_7 : vector<16xi32>
    %add3A_647 = arith.constant 802816 : i32
    %add3A_648 = vector.broadcast %add3A_647 : i32 to vector<16xi32>
    %add3A_649 = arith.addi %add3A_646, %add3A_648 : vector<16xi32>
    %swap3A_650 = arith.constant 6 : i32
    %swap3A_651 = arith.index_cast %swap3A_650 : i32 to index
    %swap3A_652 = arith.constant 16 : index
    %swap3A_653 = tpu.vector_load %arg6[%swap3A_651, %swap3A_652] {strides = array<i32>} : memref<8x128xi32, #tpu.memory_space<vmem>>, vector<1x16xi32>,
    %swap3A_654 = vector.shape_cast %swap3A_653 : vector<1x16xi32> to vector<16xi32>
    %swap3A_655 = vector.shape_cast %add3A_649 : vector<16xi32> to vector<1x16xi32>
    tpu.vector_store %arg6[%swap3A_651, %swap3A_652], %swap3A_655 {strides = array<i32>} : memref<8x128xi32, #tpu.memory_space<vmem>>, vector<1x16xi32>,
    %get3A_656 = arith.constant 800 : index
    %get3A_657 = tpu.vector_load %arg5[%get3A_656] {strides = array<i32>} : memref<1024xi32, #tpu.memory_space<vmem>>, vector<16xi32>,
    %get3A_658 = vector.shape_cast %get3A_657 : vector<16xi32> to vector<16xi32>
    %add3A_659 = arith.addi %get3A_658, %mul3A_7 : vector<16xi32>
    %add3A_660 = arith.constant 819200 : i32
    %add3A_661 = vector.broadcast %add3A_660 : i32 to vector<16xi32>
    %add3A_662 = arith.addi %add3A_659, %add3A_661 : vector<16xi32>
    %swap3A_663 = arith.constant 6 : i32
    %swap3A_664 = arith.index_cast %swap3A_663 : i32 to index
    %swap3A_665 = arith.constant 32 : index
    %swap3A_666 = tpu.vector_load %arg6[%swap3A_664, %swap3A_665] {strides = array<i32>} : memref<8x128xi32, #tpu.memory_space<vmem>>, vector<1x16xi32>,
    %swap3A_667 = vector.shape_cast %swap3A_666 : vector<1x16xi32> to vector<16xi32>
    %swap3A_668 = vector.shape_cast %add3A_662 : vector<16xi32> to vector<1x16xi32>
    tpu.vector_store %arg6[%swap3A_664, %swap3A_665], %swap3A_668 {strides = array<i32>} : memref<8x128xi32, #tpu.memory_space<vmem>>, vector<1x16xi32>,
    %get3A_669 = arith.constant 816 : index
    %get3A_670 = tpu.vector_load %arg5[%get3A_669] {strides = array<i32>} : memref<1024xi32, #tpu.memory_space<vmem>>, vector<16xi32>,
    %get3A_671 = vector.shape_cast %get3A_670 : vector<16xi32> to vector<16xi32>
    %add3A_672 = arith.addi %get3A_671, %mul3A_7 : vector<16xi32>
    %add3A_673 = arith.constant 835584 : i32
    %add3A_674 = vector.broadcast %add3A_673 : i32 to vector<16xi32>
    %add3A_675 = arith.addi %add3A_672, %add3A_674 : vector<16xi32>
    %swap3A_676 = arith.constant 6 : i32
    %swap3A_677 = arith.index_cast %swap3A_676 : i32 to index
    %swap3A_678 = arith.constant 48 : index
    %swap3A_679 = tpu.vector_load %arg6[%swap3A_677, %swap3A_678] {strides = array<i32>} : memref<8x128xi32, #tpu.memory_space<vmem>>, vector<1x16xi32>,
    %swap3A_680 = vector.shape_cast %swap3A_679 : vector<1x16xi32> to vector<16xi32>
    %swap3A_681 = vector.shape_cast %add3A_675 : vector<16xi32> to vector<1x16xi32>
    tpu.vector_store %arg6[%swap3A_677, %swap3A_678], %swap3A_681 {strides = array<i32>} : memref<8x128xi32, #tpu.memory_space<vmem>>, vector<1x16xi32>,
    %get3A_682 = arith.constant 832 : index
    %get3A_683 = tpu.vector_load %arg5[%get3A_682] {strides = array<i32>} : memref<1024xi32, #tpu.memory_space<vmem>>, vector<16xi32>,
    %get3A_684 = vector.shape_cast %get3A_683 : vector<16xi32> to vector<16xi32>
    %add3A_685 = arith.addi %get3A_684, %mul3A_7 : vector<16xi32>
    %add3A_686 = arith.constant 851968 : i32
    %add3A_687 = vector.broadcast %add3A_686 : i32 to vector<16xi32>
    %add3A_688 = arith.addi %add3A_685, %add3A_687 : vector<16xi32>
    %swap3A_689 = arith.constant 6 : i32
    %swap3A_690 = arith.index_cast %swap3A_689 : i32 to index
    %swap3A_691 = arith.constant 64 : index
    %swap3A_692 = tpu.vector_load %arg6[%swap3A_690, %swap3A_691] {strides = array<i32>} : memref<8x128xi32, #tpu.memory_space<vmem>>, vector<1x16xi32>,
    %swap3A_693 = vector.shape_cast %swap3A_692 : vector<1x16xi32> to vector<16xi32>
    %swap3A_694 = vector.shape_cast %add3A_688 : vector<16xi32> to vector<1x16xi32>
    tpu.vector_store %arg6[%swap3A_690, %swap3A_691], %swap3A_694 {strides = array<i32>} : memref<8x128xi32, #tpu.memory_space<vmem>>, vector<1x16xi32>,
    %get3A_695 = arith.constant 848 : index
    %get3A_696 = tpu.vector_load %arg5[%get3A_695] {strides = array<i32>} : memref<1024xi32, #tpu.memory_space<vmem>>, vector<16xi32>,
    %get3A_697 = vector.shape_cast %get3A_696 : vector<16xi32> to vector<16xi32>
    %add3A_698 = arith.addi %get3A_697, %mul3A_7 : vector<16xi32>
    %add3A_699 = arith.constant 868352 : i32
    %add3A_700 = vector.broadcast %add3A_699 : i32 to vector<16xi32>
    %add3A_701 = arith.addi %add3A_698, %add3A_700 : vector<16xi32>
    %swap3A_702 = arith.constant 6 : i32
    %swap3A_703 = arith.index_cast %swap3A_702 : i32 to index
    %swap3A_704 = arith.constant 80 : index
    %swap3A_705 = tpu.vector_load %arg6[%swap3A_703, %swap3A_704] {strides = array<i32>} : memref<8x128xi32, #tpu.memory_space<vmem>>, vector<1x16xi32>,
    %swap3A_706 = vector.shape_cast %swap3A_705 : vector<1x16xi32> to vector<16xi32>
    %swap3A_707 = vector.shape_cast %add3A_701 : vector<16xi32> to vector<1x16xi32>
    tpu.vector_store %arg6[%swap3A_703, %swap3A_704], %swap3A_707 {strides = array<i32>} : memref<8x128xi32, #tpu.memory_space<vmem>>, vector<1x16xi32>,
    %get3A_708 = arith.constant 864 : index
    %get3A_709 = tpu.vector_load %arg5[%get3A_708] {strides = array<i32>} : memref<1024xi32, #tpu.memory_space<vmem>>, vector<16xi32>,
    %get3A_710 = vector.shape_cast %get3A_709 : vector<16xi32> to vector<16xi32>
    %add3A_711 = arith.addi %get3A_710, %mul3A_7 : vector<16xi32>
    %add3A_712 = arith.constant 884736 : i32
    %add3A_713 = vector.broadcast %add3A_712 : i32 to vector<16xi32>
    %add3A_714 = arith.addi %add3A_711, %add3A_713 : vector<16xi32>
    %swap3A_715 = arith.constant 6 : i32
    %swap3A_716 = arith.index_cast %swap3A_715 : i32 to index
    %swap3A_717 = arith.constant 96 : index
    %swap3A_718 = tpu.vector_load %arg6[%swap3A_716, %swap3A_717] {strides = array<i32>} : memref<8x128xi32, #tpu.memory_space<vmem>>, vector<1x16xi32>,
    %swap3A_719 = vector.shape_cast %swap3A_718 : vector<1x16xi32> to vector<16xi32>
    %swap3A_720 = vector.shape_cast %add3A_714 : vector<16xi32> to vector<1x16xi32>
    tpu.vector_store %arg6[%swap3A_716, %swap3A_717], %swap3A_720 {strides = array<i32>} : memref<8x128xi32, #tpu.memory_space<vmem>>, vector<1x16xi32>,
    %get3A_721 = arith.constant 880 : index
    %get3A_722 = tpu.vector_load %arg5[%get3A_721] {strides = array<i32>} : memref<1024xi32, #tpu.memory_space<vmem>>, vector<16xi32>,
    %get3A_723 = vector.shape_cast %get3A_722 : vector<16xi32> to vector<16xi32>
    %add3A_724 = arith.addi %get3A_723, %mul3A_7 : vector<16xi32>
    %add3A_725 = arith.constant 901120 : i32
    %add3A_726 = vector.broadcast %add3A_725 : i32 to vector<16xi32>
    %add3A_727 = arith.addi %add3A_724, %add3A_726 : vector<16xi32>
    %swap3A_728 = arith.constant 6 : i32
    %swap3A_729 = arith.index_cast %swap3A_728 : i32 to index
    %swap3A_730 = arith.constant 112 : index
    %swap3A_731 = tpu.vector_load %arg6[%swap3A_729, %swap3A_730] {strides = array<i32>} : memref<8x128xi32, #tpu.memory_space<vmem>>, vector<1x16xi32>,
    %swap3A_732 = vector.shape_cast %swap3A_731 : vector<1x16xi32> to vector<16xi32>
    %swap3A_733 = vector.shape_cast %add3A_727 : vector<16xi32> to vector<1x16xi32>
    tpu.vector_store %arg6[%swap3A_729, %swap3A_730], %swap3A_733 {strides = array<i32>} : memref<8x128xi32, #tpu.memory_space<vmem>>, vector<1x16xi32>,
    %get3A_734 = arith.constant 896 : index
    %get3A_735 = tpu.vector_load %arg5[%get3A_734] {strides = array<i32>} : memref<1024xi32, #tpu.memory_space<vmem>>, vector<16xi32>,
    %get3A_736 = vector.shape_cast %get3A_735 : vector<16xi32> to vector<16xi32>
    %add3A_737 = arith.addi %get3A_736, %mul3A_7 : vector<16xi32>
    %add3A_738 = arith.constant 917504 : i32
    %add3A_739 = vector.broadcast %add3A_738 : i32 to vector<16xi32>
    %add3A_740 = arith.addi %add3A_737, %add3A_739 : vector<16xi32>
    %swap3A_741 = arith.constant 7 : i32
    %swap3A_742 = arith.index_cast %swap3A_741 : i32 to index
    %swap3A_743 = arith.constant 0 : index
    %swap3A_744 = tpu.vector_load %arg6[%swap3A_742, %swap3A_743] {strides = array<i32>} : memref<8x128xi32, #tpu.memory_space<vmem>>, vector<1x16xi32>,
    %swap3A_745 = vector.shape_cast %swap3A_744 : vector<1x16xi32> to vector<16xi32>
    %swap3A_746 = vector.shape_cast %add3A_740 : vector<16xi32> to vector<1x16xi32>
    tpu.vector_store %arg6[%swap3A_742, %swap3A_743], %swap3A_746 {strides = array<i32>} : memref<8x128xi32, #tpu.memory_space<vmem>>, vector<1x16xi32>,
    %get3A_747 = arith.constant 912 : index
    %get3A_748 = tpu.vector_load %arg5[%get3A_747] {strides = array<i32>} : memref<1024xi32, #tpu.memory_space<vmem>>, vector<16xi32>,
    %get3A_749 = vector.shape_cast %get3A_748 : vector<16xi32> to vector<16xi32>
    %add3A_750 = arith.addi %get3A_749, %mul3A_7 : vector<16xi32>
    %add3A_751 = arith.constant 933888 : i32
    %add3A_752 = vector.broadcast %add3A_751 : i32 to vector<16xi32>
    %add3A_753 = arith.addi %add3A_750, %add3A_752 : vector<16xi32>
    %swap3A_754 = arith.constant 7 : i32
    %swap3A_755 = arith.index_cast %swap3A_754 : i32 to index
    %swap3A_756 = arith.constant 16 : index
    %swap3A_757 = tpu.vector_load %arg6[%swap3A_755, %swap3A_756] {strides = array<i32>} : memref<8x128xi32, #tpu.memory_space<vmem>>, vector<1x16xi32>,
    %swap3A_758 = vector.shape_cast %swap3A_757 : vector<1x16xi32> to vector<16xi32>
    %swap3A_759 = vector.shape_cast %add3A_753 : vector<16xi32> to vector<1x16xi32>
    tpu.vector_store %arg6[%swap3A_755, %swap3A_756], %swap3A_759 {strides = array<i32>} : memref<8x128xi32, #tpu.memory_space<vmem>>, vector<1x16xi32>,
    %get3A_760 = arith.constant 928 : index
    %get3A_761 = tpu.vector_load %arg5[%get3A_760] {strides = array<i32>} : memref<1024xi32, #tpu.memory_space<vmem>>, vector<16xi32>,
    %get3A_762 = vector.shape_cast %get3A_761 : vector<16xi32> to vector<16xi32>
    %add3A_763 = arith.addi %get3A_762, %mul3A_7 : vector<16xi32>
    %add3A_764 = arith.constant 950272 : i32
    %add3A_765 = vector.broadcast %add3A_764 : i32 to vector<16xi32>
    %add3A_766 = arith.addi %add3A_763, %add3A_765 : vector<16xi32>
    %swap3A_767 = arith.constant 7 : i32
    %swap3A_768 = arith.index_cast %swap3A_767 : i32 to index
    %swap3A_769 = arith.constant 32 : index
    %swap3A_770 = tpu.vector_load %arg6[%swap3A_768, %swap3A_769] {strides = array<i32>} : memref<8x128xi32, #tpu.memory_space<vmem>>, vector<1x16xi32>,
    %swap3A_771 = vector.shape_cast %swap3A_770 : vector<1x16xi32> to vector<16xi32>
    %swap3A_772 = vector.shape_cast %add3A_766 : vector<16xi32> to vector<1x16xi32>
    tpu.vector_store %arg6[%swap3A_768, %swap3A_769], %swap3A_772 {strides = array<i32>} : memref<8x128xi32, #tpu.memory_space<vmem>>, vector<1x16xi32>,
    %get3A_773 = arith.constant 944 : index
    %get3A_774 = tpu.vector_load %arg5[%get3A_773] {strides = array<i32>} : memref<1024xi32, #tpu.memory_space<vmem>>, vector<16xi32>,
    %get3A_775 = vector.shape_cast %get3A_774 : vector<16xi32> to vector<16xi32>
    %add3A_776 = arith.addi %get3A_775, %mul3A_7 : vector<16xi32>
    %add3A_777 = arith.constant 966656 : i32
    %add3A_778 = vector.broadcast %add3A_777 : i32 to vector<16xi32>
    %add3A_779 = arith.addi %add3A_776, %add3A_778 : vector<16xi32>
    %swap3A_780 = arith.constant 7 : i32
    %swap3A_781 = arith.index_cast %swap3A_780 : i32 to index
    %swap3A_782 = arith.constant 48 : index
    %swap3A_783 = tpu.vector_load %arg6[%swap3A_781, %swap3A_782] {strides = array<i32>} : memref<8x128xi32, #tpu.memory_space<vmem>>, vector<1x16xi32>,
    %swap3A_784 = vector.shape_cast %swap3A_783 : vector<1x16xi32> to vector<16xi32>
    %swap3A_785 = vector.shape_cast %add3A_779 : vector<16xi32> to vector<1x16xi32>
    tpu.vector_store %arg6[%swap3A_781, %swap3A_782], %swap3A_785 {strides = array<i32>} : memref<8x128xi32, #tpu.memory_space<vmem>>, vector<1x16xi32>,
    %get3A_786 = arith.constant 960 : index
    %get3A_787 = tpu.vector_load %arg5[%get3A_786] {strides = array<i32>} : memref<1024xi32, #tpu.memory_space<vmem>>, vector<16xi32>,
    %get3A_788 = vector.shape_cast %get3A_787 : vector<16xi32> to vector<16xi32>
    %add3A_789 = arith.addi %get3A_788, %mul3A_7 : vector<16xi32>
    %add3A_790 = arith.constant 983040 : i32
    %add3A_791 = vector.broadcast %add3A_790 : i32 to vector<16xi32>
    %add3A_792 = arith.addi %add3A_789, %add3A_791 : vector<16xi32>
    %swap3A_793 = arith.constant 7 : i32
    %swap3A_794 = arith.index_cast %swap3A_793 : i32 to index
    %swap3A_795 = arith.constant 64 : index
    %swap3A_796 = tpu.vector_load %arg6[%swap3A_794, %swap3A_795] {strides = array<i32>} : memref<8x128xi32, #tpu.memory_space<vmem>>, vector<1x16xi32>,
    %swap3A_797 = vector.shape_cast %swap3A_796 : vector<1x16xi32> to vector<16xi32>
    %swap3A_798 = vector.shape_cast %add3A_792 : vector<16xi32> to vector<1x16xi32>
    tpu.vector_store %arg6[%swap3A_794, %swap3A_795], %swap3A_798 {strides = array<i32>} : memref<8x128xi32, #tpu.memory_space<vmem>>, vector<1x16xi32>,
    %get3A_799 = arith.constant 976 : index
    %get3A_800 = tpu.vector_load %arg5[%get3A_799] {strides = array<i32>} : memref<1024xi32, #tpu.memory_space<vmem>>, vector<16xi32>,
    %get3A_801 = vector.shape_cast %get3A_800 : vector<16xi32> to vector<16xi32>
    %add3A_802 = arith.addi %get3A_801, %mul3A_7 : vector<16xi32>
    %add3A_803 = arith.constant 999424 : i32
    %add3A_804 = vector.broadcast %add3A_803 : i32 to vector<16xi32>
    %add3A_805 = arith.addi %add3A_802, %add3A_804 : vector<16xi32>
    %swap3A_806 = arith.constant 7 : i32
    %swap3A_807 = arith.index_cast %swap3A_806 : i32 to index
    %swap3A_808 = arith.constant 80 : index
    %swap3A_809 = tpu.vector_load %arg6[%swap3A_807, %swap3A_808] {strides = array<i32>} : memref<8x128xi32, #tpu.memory_space<vmem>>, vector<1x16xi32>,
    %swap3A_810 = vector.shape_cast %swap3A_809 : vector<1x16xi32> to vector<16xi32>
    %swap3A_811 = vector.shape_cast %add3A_805 : vector<16xi32> to vector<1x16xi32>
    tpu.vector_store %arg6[%swap3A_807, %swap3A_808], %swap3A_811 {strides = array<i32>} : memref<8x128xi32, #tpu.memory_space<vmem>>, vector<1x16xi32>,
    %get3A_812 = arith.constant 992 : index
    %get3A_813 = tpu.vector_load %arg5[%get3A_812] {strides = array<i32>} : memref<1024xi32, #tpu.memory_space<vmem>>, vector<16xi32>,
    %get3A_814 = vector.shape_cast %get3A_813 : vector<16xi32> to vector<16xi32>
    %add3A_815 = arith.addi %get3A_814, %mul3A_7 : vector<16xi32>
    %add3A_816 = arith.constant 1015808 : i32
    %add3A_817 = vector.broadcast %add3A_816 : i32 to vector<16xi32>
    %add3A_818 = arith.addi %add3A_815, %add3A_817 : vector<16xi32>
    %swap3A_819 = arith.constant 7 : i32
    %swap3A_820 = arith.index_cast %swap3A_819 : i32 to index
    %swap3A_821 = arith.constant 96 : index
    %swap3A_822 = tpu.vector_load %arg6[%swap3A_820, %swap3A_821] {strides = array<i32>} : memref<8x128xi32, #tpu.memory_space<vmem>>, vector<1x16xi32>,
    %swap3A_823 = vector.shape_cast %swap3A_822 : vector<1x16xi32> to vector<16xi32>
    %swap3A_824 = vector.shape_cast %add3A_818 : vector<16xi32> to vector<1x16xi32>
    tpu.vector_store %arg6[%swap3A_820, %swap3A_821], %swap3A_824 {strides = array<i32>} : memref<8x128xi32, #tpu.memory_space<vmem>>, vector<1x16xi32>,
    %get3A_825 = arith.constant 1008 : index
    %get3A_826 = tpu.vector_load %arg5[%get3A_825] {strides = array<i32>} : memref<1024xi32, #tpu.memory_space<vmem>>, vector<16xi32>,
    %get3A_827 = vector.shape_cast %get3A_826 : vector<16xi32> to vector<16xi32>
    %add3A_828 = arith.addi %get3A_827, %mul3A_7 : vector<16xi32>
    %add3A_829 = arith.constant 1032192 : i32
    %add3A_830 = vector.broadcast %add3A_829 : i32 to vector<16xi32>
    %add3A_831 = arith.addi %add3A_828, %add3A_830 : vector<16xi32>
    %swap3A_832 = arith.constant 7 : i32
    %swap3A_833 = arith.index_cast %swap3A_832 : i32 to index
    %swap3A_834 = arith.constant 112 : index
    %swap3A_835 = tpu.vector_load %arg6[%swap3A_833, %swap3A_834] {strides = array<i32>} : memref<8x128xi32, #tpu.memory_space<vmem>>, vector<1x16xi32>,
    %swap3A_836 = vector.shape_cast %swap3A_835 : vector<1x16xi32> to vector<16xi32>
    %swap3A_837 = vector.shape_cast %add3A_831 : vector<16xi32> to vector<1x16xi32>
    tpu.vector_store %arg6[%swap3A_833, %swap3A_834], %swap3A_837 {strides = array<i32>} : memref<8x128xi32, #tpu.memory_space<vmem>>, vector<1x16xi32>,
    %dma_start3A = arith.constant 0 : i32
    %dma_start3A_838 = arith.constant 0 : i32
    %dma_start3A_839 = arith.constant 0 : i32
    %dma_start3A_840 = tpu.memref_slice %arg7[%dma_start3A_838, %dma_start3A_839] : memref<8x128xf32, #tpu.memory_space<vmem>> -> memref<1x128xf32, #tpu.memory_space<vmem>>
    %dma_start3A_841 = tpu.memref_squeeze %dma_start3A_840 : memref<1x128xf32, #tpu.memory_space<vmem>> -> memref<128xf32, #tpu.memory_space<vmem>>
    %dma_start3A_842 = arith.constant 0 : i32
    %dma_start3A_843 = tpu.memref_slice %arg6[%dma_start3A, %dma_start3A_842] : memref<8x128xi32, #tpu.memory_space<vmem>> -> memref<1x128xi32, #tpu.memory_space<vmem>>
    %dma_start3A_844 = tpu.memref_squeeze %dma_start3A_843 : memref<1x128xi32, #tpu.memory_space<vmem>> -> memref<128xi32, #tpu.memory_space<vmem>>
    %dma_start3A_845 = arith.constant 0 : i32
    %dma_start3A_846 = tpu.memref_slice %arg2[%dma_start3A_845] : memref<33554432xf32, #tpu.memory_space<hbm>> -> memref<33554432xf32, #tpu.memory_space<hbm>>
    tpu.enqueue_indirect_dma source(%dma_start3A_846 : memref<33554432xf32, #tpu.memory_space<hbm>>) target(%dma_start3A_841 : memref<128xf32, #tpu.memory_space<vmem>>) offsets(%dma_start3A_844 : memref<128xi32, #tpu.memory_space<vmem>>) semaphore(%arg9 : memref<!tpu.dma_semaphore, #tpu.memory_space<semaphore_mem>>)
    %dma_start3A_847 = arith.constant 1 : i32
    %dma_start3A_848 = arith.constant 1 : i32
    %dma_start3A_849 = arith.constant 0 : i32
    %dma_start3A_850 = tpu.memref_slice %arg7[%dma_start3A_848, %dma_start3A_849] : memref<8x128xf32, #tpu.memory_space<vmem>> -> memref<1x128xf32, #tpu.memory_space<vmem>>
    %dma_start3A_851 = tpu.memref_squeeze %dma_start3A_850 : memref<1x128xf32, #tpu.memory_space<vmem>> -> memref<128xf32, #tpu.memory_space<vmem>>
    %dma_start3A_852 = arith.constant 0 : i32
    %dma_start3A_853 = tpu.memref_slice %arg6[%dma_start3A_847, %dma_start3A_852] : memref<8x128xi32, #tpu.memory_space<vmem>> -> memref<1x128xi32, #tpu.memory_space<vmem>>
    %dma_start3A_854 = tpu.memref_squeeze %dma_start3A_853 : memref<1x128xi32, #tpu.memory_space<vmem>> -> memref<128xi32, #tpu.memory_space<vmem>>
    %dma_start3A_855 = arith.constant 0 : i32
    %dma_start3A_856 = tpu.memref_slice %arg2[%dma_start3A_855] : memref<33554432xf32, #tpu.memory_space<hbm>> -> memref<33554432xf32, #tpu.memory_space<hbm>>
    tpu.enqueue_indirect_dma source(%dma_start3A_856 : memref<33554432xf32, #tpu.memory_space<hbm>>) target(%dma_start3A_851 : memref<128xf32, #tpu.memory_space<vmem>>) offsets(%dma_start3A_854 : memref<128xi32, #tpu.memory_space<vmem>>) semaphore(%arg9 : memref<!tpu.dma_semaphore, #tpu.memory_space<semaphore_mem>>)
    %dma_start3A_857 = arith.constant 2 : i32
    %dma_start3A_858 = arith.constant 2 : i32
    %dma_start3A_859 = arith.constant 0 : i32
    %dma_start3A_860 = tpu.memref_slice %arg7[%dma_start3A_858, %dma_start3A_859] : memref<8x128xf32, #tpu.memory_space<vmem>> -> memref<1x128xf32, #tpu.memory_space<vmem>>
    %dma_start3A_861 = tpu.memref_squeeze %dma_start3A_860 : memref<1x128xf32, #tpu.memory_space<vmem>> -> memref<128xf32, #tpu.memory_space<vmem>>
    %dma_start3A_862 = arith.constant 0 : i32
    %dma_start3A_863 = tpu.memref_slice %arg6[%dma_start3A_857, %dma_start3A_862] : memref<8x128xi32, #tpu.memory_space<vmem>> -> memref<1x128xi32, #tpu.memory_space<vmem>>
    %dma_start3A_864 = tpu.memref_squeeze %dma_start3A_863 : memref<1x128xi32, #tpu.memory_space<vmem>> -> memref<128xi32, #tpu.memory_space<vmem>>
    %dma_start3A_865 = arith.constant 0 : i32
    %dma_start3A_866 = tpu.memref_slice %arg2[%dma_start3A_865] : memref<33554432xf32, #tpu.memory_space<hbm>> -> memref<33554432xf32, #tpu.memory_space<hbm>>
    tpu.enqueue_indirect_dma source(%dma_start3A_866 : memref<33554432xf32, #tpu.memory_space<hbm>>) target(%dma_start3A_861 : memref<128xf32, #tpu.memory_space<vmem>>) offsets(%dma_start3A_864 : memref<128xi32, #tpu.memory_space<vmem>>) semaphore(%arg9 : memref<!tpu.dma_semaphore, #tpu.memory_space<semaphore_mem>>)
    %dma_start3A_867 = arith.constant 3 : i32
    %dma_start3A_868 = arith.constant 3 : i32
    %dma_start3A_869 = arith.constant 0 : i32
    %dma_start3A_870 = tpu.memref_slice %arg7[%dma_start3A_868, %dma_start3A_869] : memref<8x128xf32, #tpu.memory_space<vmem>> -> memref<1x128xf32, #tpu.memory_space<vmem>>
    %dma_start3A_871 = tpu.memref_squeeze %dma_start3A_870 : memref<1x128xf32, #tpu.memory_space<vmem>> -> memref<128xf32, #tpu.memory_space<vmem>>
    %dma_start3A_872 = arith.constant 0 : i32
    %dma_start3A_873 = tpu.memref_slice %arg6[%dma_start3A_867, %dma_start3A_872] : memref<8x128xi32, #tpu.memory_space<vmem>> -> memref<1x128xi32, #tpu.memory_space<vmem>>
    %dma_start3A_874 = tpu.memref_squeeze %dma_start3A_873 : memref<1x128xi32, #tpu.memory_space<vmem>> -> memref<128xi32, #tpu.memory_space<vmem>>
    %dma_start3A_875 = arith.constant 0 : i32
    %dma_start3A_876 = tpu.memref_slice %arg2[%dma_start3A_875] : memref<33554432xf32, #tpu.memory_space<hbm>> -> memref<33554432xf32, #tpu.memory_space<hbm>>
    tpu.enqueue_indirect_dma source(%dma_start3A_876 : memref<33554432xf32, #tpu.memory_space<hbm>>) target(%dma_start3A_871 : memref<128xf32, #tpu.memory_space<vmem>>) offsets(%dma_start3A_874 : memref<128xi32, #tpu.memory_space<vmem>>) semaphore(%arg9 : memref<!tpu.dma_semaphore, #tpu.memory_space<semaphore_mem>>)
    %dma_start3A_877 = arith.constant 4 : i32
    %dma_start3A_878 = arith.constant 4 : i32
    %dma_start3A_879 = arith.constant 0 : i32
    %dma_start3A_880 = tpu.memref_slice %arg7[%dma_start3A_878, %dma_start3A_879] : memref<8x128xf32, #tpu.memory_space<vmem>> -> memref<1x128xf32, #tpu.memory_space<vmem>>
    %dma_start3A_881 = tpu.memref_squeeze %dma_start3A_880 : memref<1x128xf32, #tpu.memory_space<vmem>> -> memref<128xf32, #tpu.memory_space<vmem>>
    %dma_start3A_882 = arith.constant 0 : i32
    %dma_start3A_883 = tpu.memref_slice %arg6[%dma_start3A_877, %dma_start3A_882] : memref<8x128xi32, #tpu.memory_space<vmem>> -> memref<1x128xi32, #tpu.memory_space<vmem>>
    %dma_start3A_884 = tpu.memref_squeeze %dma_start3A_883 : memref<1x128xi32, #tpu.memory_space<vmem>> -> memref<128xi32, #tpu.memory_space<vmem>>
    %dma_start3A_885 = arith.constant 0 : i32
    %dma_start3A_886 = tpu.memref_slice %arg2[%dma_start3A_885] : memref<33554432xf32, #tpu.memory_space<hbm>> -> memref<33554432xf32, #tpu.memory_space<hbm>>
    tpu.enqueue_indirect_dma source(%dma_start3A_886 : memref<33554432xf32, #tpu.memory_space<hbm>>) target(%dma_start3A_881 : memref<128xf32, #tpu.memory_space<vmem>>) offsets(%dma_start3A_884 : memref<128xi32, #tpu.memory_space<vmem>>) semaphore(%arg9 : memref<!tpu.dma_semaphore, #tpu.memory_space<semaphore_mem>>)
    %dma_start3A_887 = arith.constant 5 : i32
    %dma_start3A_888 = arith.constant 5 : i32
    %dma_start3A_889 = arith.constant 0 : i32
    %dma_start3A_890 = tpu.memref_slice %arg7[%dma_start3A_888, %dma_start3A_889] : memref<8x128xf32, #tpu.memory_space<vmem>> -> memref<1x128xf32, #tpu.memory_space<vmem>>
    %dma_start3A_891 = tpu.memref_squeeze %dma_start3A_890 : memref<1x128xf32, #tpu.memory_space<vmem>> -> memref<128xf32, #tpu.memory_space<vmem>>
    %dma_start3A_892 = arith.constant 0 : i32
    %dma_start3A_893 = tpu.memref_slice %arg6[%dma_start3A_887, %dma_start3A_892] : memref<8x128xi32, #tpu.memory_space<vmem>> -> memref<1x128xi32, #tpu.memory_space<vmem>>
    %dma_start3A_894 = tpu.memref_squeeze %dma_start3A_893 : memref<1x128xi32, #tpu.memory_space<vmem>> -> memref<128xi32, #tpu.memory_space<vmem>>
    %dma_start3A_895 = arith.constant 0 : i32
    %dma_start3A_896 = tpu.memref_slice %arg2[%dma_start3A_895] : memref<33554432xf32, #tpu.memory_space<hbm>> -> memref<33554432xf32, #tpu.memory_space<hbm>>
    tpu.enqueue_indirect_dma source(%dma_start3A_896 : memref<33554432xf32, #tpu.memory_space<hbm>>) target(%dma_start3A_891 : memref<128xf32, #tpu.memory_space<vmem>>) offsets(%dma_start3A_894 : memref<128xi32, #tpu.memory_space<vmem>>) semaphore(%arg9 : memref<!tpu.dma_semaphore, #tpu.memory_space<semaphore_mem>>)
    %dma_start3A_897 = arith.constant 6 : i32
    %dma_start3A_898 = arith.constant 6 : i32
    %dma_start3A_899 = arith.constant 0 : i32
    %dma_start3A_900 = tpu.memref_slice %arg7[%dma_start3A_898, %dma_start3A_899] : memref<8x128xf32, #tpu.memory_space<vmem>> -> memref<1x128xf32, #tpu.memory_space<vmem>>
    %dma_start3A_901 = tpu.memref_squeeze %dma_start3A_900 : memref<1x128xf32, #tpu.memory_space<vmem>> -> memref<128xf32, #tpu.memory_space<vmem>>
    %dma_start3A_902 = arith.constant 0 : i32
    %dma_start3A_903 = tpu.memref_slice %arg6[%dma_start3A_897, %dma_start3A_902] : memref<8x128xi32, #tpu.memory_space<vmem>> -> memref<1x128xi32, #tpu.memory_space<vmem>>
    %dma_start3A_904 = tpu.memref_squeeze %dma_start3A_903 : memref<1x128xi32, #tpu.memory_space<vmem>> -> memref<128xi32, #tpu.memory_space<vmem>>
    %dma_start3A_905 = arith.constant 0 : i32
    %dma_start3A_906 = tpu.memref_slice %arg2[%dma_start3A_905] : memref<33554432xf32, #tpu.memory_space<hbm>> -> memref<33554432xf32, #tpu.memory_space<hbm>>
    tpu.enqueue_indirect_dma source(%dma_start3A_906 : memref<33554432xf32, #tpu.memory_space<hbm>>) target(%dma_start3A_901 : memref<128xf32, #tpu.memory_space<vmem>>) offsets(%dma_start3A_904 : memref<128xi32, #tpu.memory_space<vmem>>) semaphore(%arg9 : memref<!tpu.dma_semaphore, #tpu.memory_space<semaphore_mem>>)
    %dma_start3A_907 = arith.constant 7 : i32
    %dma_start3A_908 = arith.constant 7 : i32
    %dma_start3A_909 = arith.constant 0 : i32
    %dma_start3A_910 = tpu.memref_slice %arg7[%dma_start3A_908, %dma_start3A_909] : memref<8x128xf32, #tpu.memory_space<vmem>> -> memref<1x128xf32, #tpu.memory_space<vmem>>
    %dma_start3A_911 = tpu.memref_squeeze %dma_start3A_910 : memref<1x128xf32, #tpu.memory_space<vmem>> -> memref<128xf32, #tpu.memory_space<vmem>>
    %dma_start3A_912 = arith.constant 0 : i32
    %dma_start3A_913 = tpu.memref_slice %arg6[%dma_start3A_907, %dma_start3A_912] : memref<8x128xi32, #tpu.memory_space<vmem>> -> memref<1x128xi32, #tpu.memory_space<vmem>>
    %dma_start3A_914 = tpu.memref_squeeze %dma_start3A_913 : memref<1x128xi32, #tpu.memory_space<vmem>> -> memref<128xi32, #tpu.memory_space<vmem>>
    %dma_start3A_915 = arith.constant 0 : i32
    %dma_start3A_916 = tpu.memref_slice %arg2[%dma_start3A_915] : memref<33554432xf32, #tpu.memory_space<hbm>> -> memref<33554432xf32, #tpu.memory_space<hbm>>
    tpu.enqueue_indirect_dma source(%dma_start3A_916 : memref<33554432xf32, #tpu.memory_space<hbm>>) target(%dma_start3A_911 : memref<128xf32, #tpu.memory_space<vmem>>) offsets(%dma_start3A_914 : memref<128xi32, #tpu.memory_space<vmem>>) semaphore(%arg9 : memref<!tpu.dma_semaphore, #tpu.memory_space<semaphore_mem>>)
    %dma_wait3A = arith.constant 0 : i32
    %dma_wait3A_917 = arith.constant 0 : i32
    %dma_wait3A_918 = arith.constant 0 : i32
    %dma_wait3A_919 = tpu.memref_slice %arg7[%dma_wait3A_917, %dma_wait3A_918] : memref<8x128xf32, #tpu.memory_space<vmem>> -> memref<1x128xf32, #tpu.memory_space<vmem>>
    %dma_wait3A_920 = tpu.memref_squeeze %dma_wait3A_919 : memref<1x128xf32, #tpu.memory_space<vmem>> -> memref<128xf32, #tpu.memory_space<vmem>>
    %dma_wait3A_921 = arith.constant 0 : i32
    %dma_wait3A_922 = tpu.memref_slice %arg6[%dma_wait3A, %dma_wait3A_921] : memref<8x128xi32, #tpu.memory_space<vmem>> -> memref<1x128xi32, #tpu.memory_space<vmem>>
    %dma_wait3A_923 = tpu.memref_squeeze %dma_wait3A_922 : memref<1x128xi32, #tpu.memory_space<vmem>> -> memref<128xi32, #tpu.memory_space<vmem>>
    %dma_wait3A_924 = arith.constant 0 : i32
    %dma_wait3A_925 = tpu.memref_slice %arg2[%dma_wait3A_924] : memref<33554432xf32, #tpu.memory_space<hbm>> -> memref<33554432xf32, #tpu.memory_space<hbm>>
    tpu.wait_indirect_dma semaphore(%arg9 : memref<!tpu.dma_semaphore, #tpu.memory_space<semaphore_mem>>) src(%dma_wait3A_925 : memref<33554432xf32, #tpu.memory_space<hbm>>) dst(%dma_wait3A_920 : memref<128xf32, #tpu.memory_space<vmem>>)
    %dma_wait3A_926 = arith.constant 1 : i32
    %dma_wait3A_927 = arith.constant 1 : i32
    %dma_wait3A_928 = arith.constant 0 : i32
    %dma_wait3A_929 = tpu.memref_slice %arg7[%dma_wait3A_927, %dma_wait3A_928] : memref<8x128xf32, #tpu.memory_space<vmem>> -> memref<1x128xf32, #tpu.memory_space<vmem>>
    %dma_wait3A_930 = tpu.memref_squeeze %dma_wait3A_929 : memref<1x128xf32, #tpu.memory_space<vmem>> -> memref<128xf32, #tpu.memory_space<vmem>>
    %dma_wait3A_931 = arith.constant 0 : i32
    %dma_wait3A_932 = tpu.memref_slice %arg6[%dma_wait3A_926, %dma_wait3A_931] : memref<8x128xi32, #tpu.memory_space<vmem>> -> memref<1x128xi32, #tpu.memory_space<vmem>>
    %dma_wait3A_933 = tpu.memref_squeeze %dma_wait3A_932 : memref<1x128xi32, #tpu.memory_space<vmem>> -> memref<128xi32, #tpu.memory_space<vmem>>
    %dma_wait3A_934 = arith.constant 0 : i32
    %dma_wait3A_935 = tpu.memref_slice %arg2[%dma_wait3A_934] : memref<33554432xf32, #tpu.memory_space<hbm>> -> memref<33554432xf32, #tpu.memory_space<hbm>>
    tpu.wait_indirect_dma semaphore(%arg9 : memref<!tpu.dma_semaphore, #tpu.memory_space<semaphore_mem>>) src(%dma_wait3A_935 : memref<33554432xf32, #tpu.memory_space<hbm>>) dst(%dma_wait3A_930 : memref<128xf32, #tpu.memory_space<vmem>>)
    %dma_wait3A_936 = arith.constant 2 : i32
    %dma_wait3A_937 = arith.constant 2 : i32
    %dma_wait3A_938 = arith.constant 0 : i32
    %dma_wait3A_939 = tpu.memref_slice %arg7[%dma_wait3A_937, %dma_wait3A_938] : memref<8x128xf32, #tpu.memory_space<vmem>> -> memref<1x128xf32, #tpu.memory_space<vmem>>
    %dma_wait3A_940 = tpu.memref_squeeze %dma_wait3A_939 : memref<1x128xf32, #tpu.memory_space<vmem>> -> memref<128xf32, #tpu.memory_space<vmem>>
    %dma_wait3A_941 = arith.constant 0 : i32
    %dma_wait3A_942 = tpu.memref_slice %arg6[%dma_wait3A_936, %dma_wait3A_941] : memref<8x128xi32, #tpu.memory_space<vmem>> -> memref<1x128xi32, #tpu.memory_space<vmem>>
    %dma_wait3A_943 = tpu.memref_squeeze %dma_wait3A_942 : memref<1x128xi32, #tpu.memory_space<vmem>> -> memref<128xi32, #tpu.memory_space<vmem>>
    %dma_wait3A_944 = arith.constant 0 : i32
    %dma_wait3A_945 = tpu.memref_slice %arg2[%dma_wait3A_944] : memref<33554432xf32, #tpu.memory_space<hbm>> -> memref<33554432xf32, #tpu.memory_space<hbm>>
    tpu.wait_indirect_dma semaphore(%arg9 : memref<!tpu.dma_semaphore, #tpu.memory_space<semaphore_mem>>) src(%dma_wait3A_945 : memref<33554432xf32, #tpu.memory_space<hbm>>) dst(%dma_wait3A_940 : memref<128xf32, #tpu.memory_space<vmem>>)
    %dma_wait3A_946 = arith.constant 3 : i32
    %dma_wait3A_947 = arith.constant 3 : i32
    %dma_wait3A_948 = arith.constant 0 : i32
    %dma_wait3A_949 = tpu.memref_slice %arg7[%dma_wait3A_947, %dma_wait3A_948] : memref<8x128xf32, #tpu.memory_space<vmem>> -> memref<1x128xf32, #tpu.memory_space<vmem>>
    %dma_wait3A_950 = tpu.memref_squeeze %dma_wait3A_949 : memref<1x128xf32, #tpu.memory_space<vmem>> -> memref<128xf32, #tpu.memory_space<vmem>>
    %dma_wait3A_951 = arith.constant 0 : i32
    %dma_wait3A_952 = tpu.memref_slice %arg6[%dma_wait3A_946, %dma_wait3A_951] : memref<8x128xi32, #tpu.memory_space<vmem>> -> memref<1x128xi32, #tpu.memory_space<vmem>>
    %dma_wait3A_953 = tpu.memref_squeeze %dma_wait3A_952 : memref<1x128xi32, #tpu.memory_space<vmem>> -> memref<128xi32, #tpu.memory_space<vmem>>
    %dma_wait3A_954 = arith.constant 0 : i32
    %dma_wait3A_955 = tpu.memref_slice %arg2[%dma_wait3A_954] : memref<33554432xf32, #tpu.memory_space<hbm>> -> memref<33554432xf32, #tpu.memory_space<hbm>>
    tpu.wait_indirect_dma semaphore(%arg9 : memref<!tpu.dma_semaphore, #tpu.memory_space<semaphore_mem>>) src(%dma_wait3A_955 : memref<33554432xf32, #tpu.memory_space<hbm>>) dst(%dma_wait3A_950 : memref<128xf32, #tpu.memory_space<vmem>>)
    %dma_wait3A_956 = arith.constant 4 : i32
    %dma_wait3A_957 = arith.constant 4 : i32
    %dma_wait3A_958 = arith.constant 0 : i32
    %dma_wait3A_959 = tpu.memref_slice %arg7[%dma_wait3A_957, %dma_wait3A_958] : memref<8x128xf32, #tpu.memory_space<vmem>> -> memref<1x128xf32, #tpu.memory_space<vmem>>
    %dma_wait3A_960 = tpu.memref_squeeze %dma_wait3A_959 : memref<1x128xf32, #tpu.memory_space<vmem>> -> memref<128xf32, #tpu.memory_space<vmem>>
    %dma_wait3A_961 = arith.constant 0 : i32
    %dma_wait3A_962 = tpu.memref_slice %arg6[%dma_wait3A_956, %dma_wait3A_961] : memref<8x128xi32, #tpu.memory_space<vmem>> -> memref<1x128xi32, #tpu.memory_space<vmem>>
    %dma_wait3A_963 = tpu.memref_squeeze %dma_wait3A_962 : memref<1x128xi32, #tpu.memory_space<vmem>> -> memref<128xi32, #tpu.memory_space<vmem>>
    %dma_wait3A_964 = arith.constant 0 : i32
    %dma_wait3A_965 = tpu.memref_slice %arg2[%dma_wait3A_964] : memref<33554432xf32, #tpu.memory_space<hbm>> -> memref<33554432xf32, #tpu.memory_space<hbm>>
    tpu.wait_indirect_dma semaphore(%arg9 : memref<!tpu.dma_semaphore, #tpu.memory_space<semaphore_mem>>) src(%dma_wait3A_965 : memref<33554432xf32, #tpu.memory_space<hbm>>) dst(%dma_wait3A_960 : memref<128xf32, #tpu.memory_space<vmem>>)
    %dma_wait3A_966 = arith.constant 5 : i32
    %dma_wait3A_967 = arith.constant 5 : i32
    %dma_wait3A_968 = arith.constant 0 : i32
    %dma_wait3A_969 = tpu.memref_slice %arg7[%dma_wait3A_967, %dma_wait3A_968] : memref<8x128xf32, #tpu.memory_space<vmem>> -> memref<1x128xf32, #tpu.memory_space<vmem>>
    %dma_wait3A_970 = tpu.memref_squeeze %dma_wait3A_969 : memref<1x128xf32, #tpu.memory_space<vmem>> -> memref<128xf32, #tpu.memory_space<vmem>>
    %dma_wait3A_971 = arith.constant 0 : i32
    %dma_wait3A_972 = tpu.memref_slice %arg6[%dma_wait3A_966, %dma_wait3A_971] : memref<8x128xi32, #tpu.memory_space<vmem>> -> memref<1x128xi32, #tpu.memory_space<vmem>>
    %dma_wait3A_973 = tpu.memref_squeeze %dma_wait3A_972 : memref<1x128xi32, #tpu.memory_space<vmem>> -> memref<128xi32, #tpu.memory_space<vmem>>
    %dma_wait3A_974 = arith.constant 0 : i32
    %dma_wait3A_975 = tpu.memref_slice %arg2[%dma_wait3A_974] : memref<33554432xf32, #tpu.memory_space<hbm>> -> memref<33554432xf32, #tpu.memory_space<hbm>>
    tpu.wait_indirect_dma semaphore(%arg9 : memref<!tpu.dma_semaphore, #tpu.memory_space<semaphore_mem>>) src(%dma_wait3A_975 : memref<33554432xf32, #tpu.memory_space<hbm>>) dst(%dma_wait3A_970 : memref<128xf32, #tpu.memory_space<vmem>>)
    %dma_wait3A_976 = arith.constant 6 : i32
    %dma_wait3A_977 = arith.constant 6 : i32
    %dma_wait3A_978 = arith.constant 0 : i32
    %dma_wait3A_979 = tpu.memref_slice %arg7[%dma_wait3A_977, %dma_wait3A_978] : memref<8x128xf32, #tpu.memory_space<vmem>> -> memref<1x128xf32, #tpu.memory_space<vmem>>
    %dma_wait3A_980 = tpu.memref_squeeze %dma_wait3A_979 : memref<1x128xf32, #tpu.memory_space<vmem>> -> memref<128xf32, #tpu.memory_space<vmem>>
    %dma_wait3A_981 = arith.constant 0 : i32
    %dma_wait3A_982 = tpu.memref_slice %arg6[%dma_wait3A_976, %dma_wait3A_981] : memref<8x128xi32, #tpu.memory_space<vmem>> -> memref<1x128xi32, #tpu.memory_space<vmem>>
    %dma_wait3A_983 = tpu.memref_squeeze %dma_wait3A_982 : memref<1x128xi32, #tpu.memory_space<vmem>> -> memref<128xi32, #tpu.memory_space<vmem>>
    %dma_wait3A_984 = arith.constant 0 : i32
    %dma_wait3A_985 = tpu.memref_slice %arg2[%dma_wait3A_984] : memref<33554432xf32, #tpu.memory_space<hbm>> -> memref<33554432xf32, #tpu.memory_space<hbm>>
    tpu.wait_indirect_dma semaphore(%arg9 : memref<!tpu.dma_semaphore, #tpu.memory_space<semaphore_mem>>) src(%dma_wait3A_985 : memref<33554432xf32, #tpu.memory_space<hbm>>) dst(%dma_wait3A_980 : memref<128xf32, #tpu.memory_space<vmem>>)
    %dma_wait3A_986 = arith.constant 7 : i32
    %dma_wait3A_987 = arith.constant 7 : i32
    %dma_wait3A_988 = arith.constant 0 : i32
    %dma_wait3A_989 = tpu.memref_slice %arg7[%dma_wait3A_987, %dma_wait3A_988] : memref<8x128xf32, #tpu.memory_space<vmem>> -> memref<1x128xf32, #tpu.memory_space<vmem>>
    %dma_wait3A_990 = tpu.memref_squeeze %dma_wait3A_989 : memref<1x128xf32, #tpu.memory_space<vmem>> -> memref<128xf32, #tpu.memory_space<vmem>>
    %dma_wait3A_991 = arith.constant 0 : i32
    %dma_wait3A_992 = tpu.memref_slice %arg6[%dma_wait3A_986, %dma_wait3A_991] : memref<8x128xi32, #tpu.memory_space<vmem>> -> memref<1x128xi32, #tpu.memory_space<vmem>>
    %dma_wait3A_993 = tpu.memref_squeeze %dma_wait3A_992 : memref<1x128xi32, #tpu.memory_space<vmem>> -> memref<128xi32, #tpu.memory_space<vmem>>
    %dma_wait3A_994 = arith.constant 0 : i32
    %dma_wait3A_995 = tpu.memref_slice %arg2[%dma_wait3A_994] : memref<33554432xf32, #tpu.memory_space<hbm>> -> memref<33554432xf32, #tpu.memory_space<hbm>>
    tpu.wait_indirect_dma semaphore(%arg9 : memref<!tpu.dma_semaphore, #tpu.memory_space<semaphore_mem>>) src(%dma_wait3A_995 : memref<33554432xf32, #tpu.memory_space<hbm>>) dst(%dma_wait3A_990 : memref<128xf32, #tpu.memory_space<vmem>>)
    %broadcast_in_dim3A = arith.constant 0.000000e+00 : f32
    %broadcast_in_dim3A_996 = vector.broadcast %broadcast_in_dim3A : f32 to vector<16xf32>
    %get3A_997 = arith.constant 0 : i32
    %get3A_998 = arith.index_cast %get3A_997 : i32 to index
    %get3A_999 = arith.constant 0 : index
    %get3A_1000 = tpu.vector_load %arg7[%get3A_998, %get3A_999] {strides = array<i32>} : memref<8x128xf32, #tpu.memory_space<vmem>>, vector<1x16xf32>,
    %get3A_1001 = vector.shape_cast %get3A_1000 : vector<1x16xf32> to vector<16xf32>
    %add3A_1002 = arith.addf %broadcast_in_dim3A_996, %get3A_1001 : vector<16xf32>
    %get3A_1003 = arith.constant 0 : i32
    %get3A_1004 = arith.index_cast %get3A_1003 : i32 to index
    %get3A_1005 = arith.constant 16 : index
    %get3A_1006 = tpu.vector_load %arg7[%get3A_1004, %get3A_1005] {strides = array<i32>} : memref<8x128xf32, #tpu.memory_space<vmem>>, vector<1x16xf32>,
    %get3A_1007 = vector.shape_cast %get3A_1006 : vector<1x16xf32> to vector<16xf32>
    %add3A_1008 = arith.addf %add3A_1002, %get3A_1007 : vector<16xf32>
    %get3A_1009 = arith.constant 0 : i32
    %get3A_1010 = arith.index_cast %get3A_1009 : i32 to index
    %get3A_1011 = arith.constant 32 : index
    %get3A_1012 = tpu.vector_load %arg7[%get3A_1010, %get3A_1011] {strides = array<i32>} : memref<8x128xf32, #tpu.memory_space<vmem>>, vector<1x16xf32>,
    %get3A_1013 = vector.shape_cast %get3A_1012 : vector<1x16xf32> to vector<16xf32>
    %add3A_1014 = arith.addf %add3A_1008, %get3A_1013 : vector<16xf32>
    %get3A_1015 = arith.constant 0 : i32
    %get3A_1016 = arith.index_cast %get3A_1015 : i32 to index
    %get3A_1017 = arith.constant 48 : index
    %get3A_1018 = tpu.vector_load %arg7[%get3A_1016, %get3A_1017] {strides = array<i32>} : memref<8x128xf32, #tpu.memory_space<vmem>>, vector<1x16xf32>,
    %get3A_1019 = vector.shape_cast %get3A_1018 : vector<1x16xf32> to vector<16xf32>
    %add3A_1020 = arith.addf %add3A_1014, %get3A_1019 : vector<16xf32>
    %get3A_1021 = arith.constant 0 : i32
    %get3A_1022 = arith.index_cast %get3A_1021 : i32 to index
    %get3A_1023 = arith.constant 64 : index
    %get3A_1024 = tpu.vector_load %arg7[%get3A_1022, %get3A_1023] {strides = array<i32>} : memref<8x128xf32, #tpu.memory_space<vmem>>, vector<1x16xf32>,
    %get3A_1025 = vector.shape_cast %get3A_1024 : vector<1x16xf32> to vector<16xf32>
    %add3A_1026 = arith.addf %add3A_1020, %get3A_1025 : vector<16xf32>
    %get3A_1027 = arith.constant 0 : i32
    %get3A_1028 = arith.index_cast %get3A_1027 : i32 to index
    %get3A_1029 = arith.constant 80 : index
    %get3A_1030 = tpu.vector_load %arg7[%get3A_1028, %get3A_1029] {strides = array<i32>} : memref<8x128xf32, #tpu.memory_space<vmem>>, vector<1x16xf32>,
    %get3A_1031 = vector.shape_cast %get3A_1030 : vector<1x16xf32> to vector<16xf32>
    %add3A_1032 = arith.addf %add3A_1026, %get3A_1031 : vector<16xf32>
    %get3A_1033 = arith.constant 0 : i32
    %get3A_1034 = arith.index_cast %get3A_1033 : i32 to index
    %get3A_1035 = arith.constant 96 : index
    %get3A_1036 = tpu.vector_load %arg7[%get3A_1034, %get3A_1035] {strides = array<i32>} : memref<8x128xf32, #tpu.memory_space<vmem>>, vector<1x16xf32>,
    %get3A_1037 = vector.shape_cast %get3A_1036 : vector<1x16xf32> to vector<16xf32>
    %add3A_1038 = arith.addf %add3A_1032, %get3A_1037 : vector<16xf32>
    %get3A_1039 = arith.constant 0 : i32
    %get3A_1040 = arith.index_cast %get3A_1039 : i32 to index
    %get3A_1041 = arith.constant 112 : index
    %get3A_1042 = tpu.vector_load %arg7[%get3A_1040, %get3A_1041] {strides = array<i32>} : memref<8x128xf32, #tpu.memory_space<vmem>>, vector<1x16xf32>,
    %get3A_1043 = vector.shape_cast %get3A_1042 : vector<1x16xf32> to vector<16xf32>
    %add3A_1044 = arith.addf %add3A_1038, %get3A_1043 : vector<16xf32>
    %get3A_1045 = arith.constant 1 : i32
    %get3A_1046 = arith.index_cast %get3A_1045 : i32 to index
    %get3A_1047 = arith.constant 0 : index
    %get3A_1048 = tpu.vector_load %arg7[%get3A_1046, %get3A_1047] {strides = array<i32>} : memref<8x128xf32, #tpu.memory_space<vmem>>, vector<1x16xf32>,
    %get3A_1049 = vector.shape_cast %get3A_1048 : vector<1x16xf32> to vector<16xf32>
    %add3A_1050 = arith.addf %add3A_1044, %get3A_1049 : vector<16xf32>
    %get3A_1051 = arith.constant 1 : i32
    %get3A_1052 = arith.index_cast %get3A_1051 : i32 to index
    %get3A_1053 = arith.constant 16 : index
    %get3A_1054 = tpu.vector_load %arg7[%get3A_1052, %get3A_1053] {strides = array<i32>} : memref<8x128xf32, #tpu.memory_space<vmem>>, vector<1x16xf32>,
    %get3A_1055 = vector.shape_cast %get3A_1054 : vector<1x16xf32> to vector<16xf32>
    %add3A_1056 = arith.addf %add3A_1050, %get3A_1055 : vector<16xf32>
    %get3A_1057 = arith.constant 1 : i32
    %get3A_1058 = arith.index_cast %get3A_1057 : i32 to index
    %get3A_1059 = arith.constant 32 : index
    %get3A_1060 = tpu.vector_load %arg7[%get3A_1058, %get3A_1059] {strides = array<i32>} : memref<8x128xf32, #tpu.memory_space<vmem>>, vector<1x16xf32>,
    %get3A_1061 = vector.shape_cast %get3A_1060 : vector<1x16xf32> to vector<16xf32>
    %add3A_1062 = arith.addf %add3A_1056, %get3A_1061 : vector<16xf32>
    %get3A_1063 = arith.constant 1 : i32
    %get3A_1064 = arith.index_cast %get3A_1063 : i32 to index
    %get3A_1065 = arith.constant 48 : index
    %get3A_1066 = tpu.vector_load %arg7[%get3A_1064, %get3A_1065] {strides = array<i32>} : memref<8x128xf32, #tpu.memory_space<vmem>>, vector<1x16xf32>,
    %get3A_1067 = vector.shape_cast %get3A_1066 : vector<1x16xf32> to vector<16xf32>
    %add3A_1068 = arith.addf %add3A_1062, %get3A_1067 : vector<16xf32>
    %get3A_1069 = arith.constant 1 : i32
    %get3A_1070 = arith.index_cast %get3A_1069 : i32 to index
    %get3A_1071 = arith.constant 64 : index
    %get3A_1072 = tpu.vector_load %arg7[%get3A_1070, %get3A_1071] {strides = array<i32>} : memref<8x128xf32, #tpu.memory_space<vmem>>, vector<1x16xf32>,
    %get3A_1073 = vector.shape_cast %get3A_1072 : vector<1x16xf32> to vector<16xf32>
    %add3A_1074 = arith.addf %add3A_1068, %get3A_1073 : vector<16xf32>
    %get3A_1075 = arith.constant 1 : i32
    %get3A_1076 = arith.index_cast %get3A_1075 : i32 to index
    %get3A_1077 = arith.constant 80 : index
    %get3A_1078 = tpu.vector_load %arg7[%get3A_1076, %get3A_1077] {strides = array<i32>} : memref<8x128xf32, #tpu.memory_space<vmem>>, vector<1x16xf32>,
    %get3A_1079 = vector.shape_cast %get3A_1078 : vector<1x16xf32> to vector<16xf32>
    %add3A_1080 = arith.addf %add3A_1074, %get3A_1079 : vector<16xf32>
    %get3A_1081 = arith.constant 1 : i32
    %get3A_1082 = arith.index_cast %get3A_1081 : i32 to index
    %get3A_1083 = arith.constant 96 : index
    %get3A_1084 = tpu.vector_load %arg7[%get3A_1082, %get3A_1083] {strides = array<i32>} : memref<8x128xf32, #tpu.memory_space<vmem>>, vector<1x16xf32>,
    %get3A_1085 = vector.shape_cast %get3A_1084 : vector<1x16xf32> to vector<16xf32>
    %add3A_1086 = arith.addf %add3A_1080, %get3A_1085 : vector<16xf32>
    %get3A_1087 = arith.constant 1 : i32
    %get3A_1088 = arith.index_cast %get3A_1087 : i32 to index
    %get3A_1089 = arith.constant 112 : index
    %get3A_1090 = tpu.vector_load %arg7[%get3A_1088, %get3A_1089] {strides = array<i32>} : memref<8x128xf32, #tpu.memory_space<vmem>>, vector<1x16xf32>,
    %get3A_1091 = vector.shape_cast %get3A_1090 : vector<1x16xf32> to vector<16xf32>
    %add3A_1092 = arith.addf %add3A_1086, %get3A_1091 : vector<16xf32>
    %get3A_1093 = arith.constant 2 : i32
    %get3A_1094 = arith.index_cast %get3A_1093 : i32 to index
    %get3A_1095 = arith.constant 0 : index
    %get3A_1096 = tpu.vector_load %arg7[%get3A_1094, %get3A_1095] {strides = array<i32>} : memref<8x128xf32, #tpu.memory_space<vmem>>, vector<1x16xf32>,
    %get3A_1097 = vector.shape_cast %get3A_1096 : vector<1x16xf32> to vector<16xf32>
    %add3A_1098 = arith.addf %add3A_1092, %get3A_1097 : vector<16xf32>
    %get3A_1099 = arith.constant 2 : i32
    %get3A_1100 = arith.index_cast %get3A_1099 : i32 to index
    %get3A_1101 = arith.constant 16 : index
    %get3A_1102 = tpu.vector_load %arg7[%get3A_1100, %get3A_1101] {strides = array<i32>} : memref<8x128xf32, #tpu.memory_space<vmem>>, vector<1x16xf32>,
    %get3A_1103 = vector.shape_cast %get3A_1102 : vector<1x16xf32> to vector<16xf32>
    %add3A_1104 = arith.addf %add3A_1098, %get3A_1103 : vector<16xf32>
    %get3A_1105 = arith.constant 2 : i32
    %get3A_1106 = arith.index_cast %get3A_1105 : i32 to index
    %get3A_1107 = arith.constant 32 : index
    %get3A_1108 = tpu.vector_load %arg7[%get3A_1106, %get3A_1107] {strides = array<i32>} : memref<8x128xf32, #tpu.memory_space<vmem>>, vector<1x16xf32>,
    %get3A_1109 = vector.shape_cast %get3A_1108 : vector<1x16xf32> to vector<16xf32>
    %add3A_1110 = arith.addf %add3A_1104, %get3A_1109 : vector<16xf32>
    %get3A_1111 = arith.constant 2 : i32
    %get3A_1112 = arith.index_cast %get3A_1111 : i32 to index
    %get3A_1113 = arith.constant 48 : index
    %get3A_1114 = tpu.vector_load %arg7[%get3A_1112, %get3A_1113] {strides = array<i32>} : memref<8x128xf32, #tpu.memory_space<vmem>>, vector<1x16xf32>,
    %get3A_1115 = vector.shape_cast %get3A_1114 : vector<1x16xf32> to vector<16xf32>
    %add3A_1116 = arith.addf %add3A_1110, %get3A_1115 : vector<16xf32>
    %get3A_1117 = arith.constant 2 : i32
    %get3A_1118 = arith.index_cast %get3A_1117 : i32 to index
    %get3A_1119 = arith.constant 64 : index
    %get3A_1120 = tpu.vector_load %arg7[%get3A_1118, %get3A_1119] {strides = array<i32>} : memref<8x128xf32, #tpu.memory_space<vmem>>, vector<1x16xf32>,
    %get3A_1121 = vector.shape_cast %get3A_1120 : vector<1x16xf32> to vector<16xf32>
    %add3A_1122 = arith.addf %add3A_1116, %get3A_1121 : vector<16xf32>
    %get3A_1123 = arith.constant 2 : i32
    %get3A_1124 = arith.index_cast %get3A_1123 : i32 to index
    %get3A_1125 = arith.constant 80 : index
    %get3A_1126 = tpu.vector_load %arg7[%get3A_1124, %get3A_1125] {strides = array<i32>} : memref<8x128xf32, #tpu.memory_space<vmem>>, vector<1x16xf32>,
    %get3A_1127 = vector.shape_cast %get3A_1126 : vector<1x16xf32> to vector<16xf32>
    %add3A_1128 = arith.addf %add3A_1122, %get3A_1127 : vector<16xf32>
    %get3A_1129 = arith.constant 2 : i32
    %get3A_1130 = arith.index_cast %get3A_1129 : i32 to index
    %get3A_1131 = arith.constant 96 : index
    %get3A_1132 = tpu.vector_load %arg7[%get3A_1130, %get3A_1131] {strides = array<i32>} : memref<8x128xf32, #tpu.memory_space<vmem>>, vector<1x16xf32>,
    %get3A_1133 = vector.shape_cast %get3A_1132 : vector<1x16xf32> to vector<16xf32>
    %add3A_1134 = arith.addf %add3A_1128, %get3A_1133 : vector<16xf32>
    %get3A_1135 = arith.constant 2 : i32
    %get3A_1136 = arith.index_cast %get3A_1135 : i32 to index
    %get3A_1137 = arith.constant 112 : index
    %get3A_1138 = tpu.vector_load %arg7[%get3A_1136, %get3A_1137] {strides = array<i32>} : memref<8x128xf32, #tpu.memory_space<vmem>>, vector<1x16xf32>,
    %get3A_1139 = vector.shape_cast %get3A_1138 : vector<1x16xf32> to vector<16xf32>
    %add3A_1140 = arith.addf %add3A_1134, %get3A_1139 : vector<16xf32>
    %get3A_1141 = arith.constant 3 : i32
    %get3A_1142 = arith.index_cast %get3A_1141 : i32 to index
    %get3A_1143 = arith.constant 0 : index
    %get3A_1144 = tpu.vector_load %arg7[%get3A_1142, %get3A_1143] {strides = array<i32>} : memref<8x128xf32, #tpu.memory_space<vmem>>, vector<1x16xf32>,
    %get3A_1145 = vector.shape_cast %get3A_1144 : vector<1x16xf32> to vector<16xf32>
    %add3A_1146 = arith.addf %add3A_1140, %get3A_1145 : vector<16xf32>
    %get3A_1147 = arith.constant 3 : i32
    %get3A_1148 = arith.index_cast %get3A_1147 : i32 to index
    %get3A_1149 = arith.constant 16 : index
    %get3A_1150 = tpu.vector_load %arg7[%get3A_1148, %get3A_1149] {strides = array<i32>} : memref<8x128xf32, #tpu.memory_space<vmem>>, vector<1x16xf32>,
    %get3A_1151 = vector.shape_cast %get3A_1150 : vector<1x16xf32> to vector<16xf32>
    %add3A_1152 = arith.addf %add3A_1146, %get3A_1151 : vector<16xf32>
    %get3A_1153 = arith.constant 3 : i32
    %get3A_1154 = arith.index_cast %get3A_1153 : i32 to index
    %get3A_1155 = arith.constant 32 : index
    %get3A_1156 = tpu.vector_load %arg7[%get3A_1154, %get3A_1155] {strides = array<i32>} : memref<8x128xf32, #tpu.memory_space<vmem>>, vector<1x16xf32>,
    %get3A_1157 = vector.shape_cast %get3A_1156 : vector<1x16xf32> to vector<16xf32>
    %add3A_1158 = arith.addf %add3A_1152, %get3A_1157 : vector<16xf32>
    %get3A_1159 = arith.constant 3 : i32
    %get3A_1160 = arith.index_cast %get3A_1159 : i32 to index
    %get3A_1161 = arith.constant 48 : index
    %get3A_1162 = tpu.vector_load %arg7[%get3A_1160, %get3A_1161] {strides = array<i32>} : memref<8x128xf32, #tpu.memory_space<vmem>>, vector<1x16xf32>,
    %get3A_1163 = vector.shape_cast %get3A_1162 : vector<1x16xf32> to vector<16xf32>
    %add3A_1164 = arith.addf %add3A_1158, %get3A_1163 : vector<16xf32>
    %get3A_1165 = arith.constant 3 : i32
    %get3A_1166 = arith.index_cast %get3A_1165 : i32 to index
    %get3A_1167 = arith.constant 64 : index
    %get3A_1168 = tpu.vector_load %arg7[%get3A_1166, %get3A_1167] {strides = array<i32>} : memref<8x128xf32, #tpu.memory_space<vmem>>, vector<1x16xf32>,
    %get3A_1169 = vector.shape_cast %get3A_1168 : vector<1x16xf32> to vector<16xf32>
    %add3A_1170 = arith.addf %add3A_1164, %get3A_1169 : vector<16xf32>
    %get3A_1171 = arith.constant 3 : i32
    %get3A_1172 = arith.index_cast %get3A_1171 : i32 to index
    %get3A_1173 = arith.constant 80 : index
    %get3A_1174 = tpu.vector_load %arg7[%get3A_1172, %get3A_1173] {strides = array<i32>} : memref<8x128xf32, #tpu.memory_space<vmem>>, vector<1x16xf32>,
    %get3A_1175 = vector.shape_cast %get3A_1174 : vector<1x16xf32> to vector<16xf32>
    %add3A_1176 = arith.addf %add3A_1170, %get3A_1175 : vector<16xf32>
    %get3A_1177 = arith.constant 3 : i32
    %get3A_1178 = arith.index_cast %get3A_1177 : i32 to index
    %get3A_1179 = arith.constant 96 : index
    %get3A_1180 = tpu.vector_load %arg7[%get3A_1178, %get3A_1179] {strides = array<i32>} : memref<8x128xf32, #tpu.memory_space<vmem>>, vector<1x16xf32>,
    %get3A_1181 = vector.shape_cast %get3A_1180 : vector<1x16xf32> to vector<16xf32>
    %add3A_1182 = arith.addf %add3A_1176, %get3A_1181 : vector<16xf32>
    %get3A_1183 = arith.constant 3 : i32
    %get3A_1184 = arith.index_cast %get3A_1183 : i32 to index
    %get3A_1185 = arith.constant 112 : index
    %get3A_1186 = tpu.vector_load %arg7[%get3A_1184, %get3A_1185] {strides = array<i32>} : memref<8x128xf32, #tpu.memory_space<vmem>>, vector<1x16xf32>,
    %get3A_1187 = vector.shape_cast %get3A_1186 : vector<1x16xf32> to vector<16xf32>
    %add3A_1188 = arith.addf %add3A_1182, %get3A_1187 : vector<16xf32>
    %get3A_1189 = arith.constant 4 : i32
    %get3A_1190 = arith.index_cast %get3A_1189 : i32 to index
    %get3A_1191 = arith.constant 0 : index
    %get3A_1192 = tpu.vector_load %arg7[%get3A_1190, %get3A_1191] {strides = array<i32>} : memref<8x128xf32, #tpu.memory_space<vmem>>, vector<1x16xf32>,
    %get3A_1193 = vector.shape_cast %get3A_1192 : vector<1x16xf32> to vector<16xf32>
    %add3A_1194 = arith.addf %add3A_1188, %get3A_1193 : vector<16xf32>
    %get3A_1195 = arith.constant 4 : i32
    %get3A_1196 = arith.index_cast %get3A_1195 : i32 to index
    %get3A_1197 = arith.constant 16 : index
    %get3A_1198 = tpu.vector_load %arg7[%get3A_1196, %get3A_1197] {strides = array<i32>} : memref<8x128xf32, #tpu.memory_space<vmem>>, vector<1x16xf32>,
    %get3A_1199 = vector.shape_cast %get3A_1198 : vector<1x16xf32> to vector<16xf32>
    %add3A_1200 = arith.addf %add3A_1194, %get3A_1199 : vector<16xf32>
    %get3A_1201 = arith.constant 4 : i32
    %get3A_1202 = arith.index_cast %get3A_1201 : i32 to index
    %get3A_1203 = arith.constant 32 : index
    %get3A_1204 = tpu.vector_load %arg7[%get3A_1202, %get3A_1203] {strides = array<i32>} : memref<8x128xf32, #tpu.memory_space<vmem>>, vector<1x16xf32>,
    %get3A_1205 = vector.shape_cast %get3A_1204 : vector<1x16xf32> to vector<16xf32>
    %add3A_1206 = arith.addf %add3A_1200, %get3A_1205 : vector<16xf32>
    %get3A_1207 = arith.constant 4 : i32
    %get3A_1208 = arith.index_cast %get3A_1207 : i32 to index
    %get3A_1209 = arith.constant 48 : index
    %get3A_1210 = tpu.vector_load %arg7[%get3A_1208, %get3A_1209] {strides = array<i32>} : memref<8x128xf32, #tpu.memory_space<vmem>>, vector<1x16xf32>,
    %get3A_1211 = vector.shape_cast %get3A_1210 : vector<1x16xf32> to vector<16xf32>
    %add3A_1212 = arith.addf %add3A_1206, %get3A_1211 : vector<16xf32>
    %get3A_1213 = arith.constant 4 : i32
    %get3A_1214 = arith.index_cast %get3A_1213 : i32 to index
    %get3A_1215 = arith.constant 64 : index
    %get3A_1216 = tpu.vector_load %arg7[%get3A_1214, %get3A_1215] {strides = array<i32>} : memref<8x128xf32, #tpu.memory_space<vmem>>, vector<1x16xf32>,
    %get3A_1217 = vector.shape_cast %get3A_1216 : vector<1x16xf32> to vector<16xf32>
    %add3A_1218 = arith.addf %add3A_1212, %get3A_1217 : vector<16xf32>
    %get3A_1219 = arith.constant 4 : i32
    %get3A_1220 = arith.index_cast %get3A_1219 : i32 to index
    %get3A_1221 = arith.constant 80 : index
    %get3A_1222 = tpu.vector_load %arg7[%get3A_1220, %get3A_1221] {strides = array<i32>} : memref<8x128xf32, #tpu.memory_space<vmem>>, vector<1x16xf32>,
    %get3A_1223 = vector.shape_cast %get3A_1222 : vector<1x16xf32> to vector<16xf32>
    %add3A_1224 = arith.addf %add3A_1218, %get3A_1223 : vector<16xf32>
    %get3A_1225 = arith.constant 4 : i32
    %get3A_1226 = arith.index_cast %get3A_1225 : i32 to index
    %get3A_1227 = arith.constant 96 : index
    %get3A_1228 = tpu.vector_load %arg7[%get3A_1226, %get3A_1227] {strides = array<i32>} : memref<8x128xf32, #tpu.memory_space<vmem>>, vector<1x16xf32>,
    %get3A_1229 = vector.shape_cast %get3A_1228 : vector<1x16xf32> to vector<16xf32>
    %add3A_1230 = arith.addf %add3A_1224, %get3A_1229 : vector<16xf32>
    %get3A_1231 = arith.constant 4 : i32
    %get3A_1232 = arith.index_cast %get3A_1231 : i32 to index
    %get3A_1233 = arith.constant 112 : index
    %get3A_1234 = tpu.vector_load %arg7[%get3A_1232, %get3A_1233] {strides = array<i32>} : memref<8x128xf32, #tpu.memory_space<vmem>>, vector<1x16xf32>,
    %get3A_1235 = vector.shape_cast %get3A_1234 : vector<1x16xf32> to vector<16xf32>
    %add3A_1236 = arith.addf %add3A_1230, %get3A_1235 : vector<16xf32>
    %get3A_1237 = arith.constant 5 : i32
    %get3A_1238 = arith.index_cast %get3A_1237 : i32 to index
    %get3A_1239 = arith.constant 0 : index
    %get3A_1240 = tpu.vector_load %arg7[%get3A_1238, %get3A_1239] {strides = array<i32>} : memref<8x128xf32, #tpu.memory_space<vmem>>, vector<1x16xf32>,
    %get3A_1241 = vector.shape_cast %get3A_1240 : vector<1x16xf32> to vector<16xf32>
    %add3A_1242 = arith.addf %add3A_1236, %get3A_1241 : vector<16xf32>
    %get3A_1243 = arith.constant 5 : i32
    %get3A_1244 = arith.index_cast %get3A_1243 : i32 to index
    %get3A_1245 = arith.constant 16 : index
    %get3A_1246 = tpu.vector_load %arg7[%get3A_1244, %get3A_1245] {strides = array<i32>} : memref<8x128xf32, #tpu.memory_space<vmem>>, vector<1x16xf32>,
    %get3A_1247 = vector.shape_cast %get3A_1246 : vector<1x16xf32> to vector<16xf32>
    %add3A_1248 = arith.addf %add3A_1242, %get3A_1247 : vector<16xf32>
    %get3A_1249 = arith.constant 5 : i32
    %get3A_1250 = arith.index_cast %get3A_1249 : i32 to index
    %get3A_1251 = arith.constant 32 : index
    %get3A_1252 = tpu.vector_load %arg7[%get3A_1250, %get3A_1251] {strides = array<i32>} : memref<8x128xf32, #tpu.memory_space<vmem>>, vector<1x16xf32>,
    %get3A_1253 = vector.shape_cast %get3A_1252 : vector<1x16xf32> to vector<16xf32>
    %add3A_1254 = arith.addf %add3A_1248, %get3A_1253 : vector<16xf32>
    %get3A_1255 = arith.constant 5 : i32
    %get3A_1256 = arith.index_cast %get3A_1255 : i32 to index
    %get3A_1257 = arith.constant 48 : index
    %get3A_1258 = tpu.vector_load %arg7[%get3A_1256, %get3A_1257] {strides = array<i32>} : memref<8x128xf32, #tpu.memory_space<vmem>>, vector<1x16xf32>,
    %get3A_1259 = vector.shape_cast %get3A_1258 : vector<1x16xf32> to vector<16xf32>
    %add3A_1260 = arith.addf %add3A_1254, %get3A_1259 : vector<16xf32>
    %get3A_1261 = arith.constant 5 : i32
    %get3A_1262 = arith.index_cast %get3A_1261 : i32 to index
    %get3A_1263 = arith.constant 64 : index
    %get3A_1264 = tpu.vector_load %arg7[%get3A_1262, %get3A_1263] {strides = array<i32>} : memref<8x128xf32, #tpu.memory_space<vmem>>, vector<1x16xf32>,
    %get3A_1265 = vector.shape_cast %get3A_1264 : vector<1x16xf32> to vector<16xf32>
    %add3A_1266 = arith.addf %add3A_1260, %get3A_1265 : vector<16xf32>
    %get3A_1267 = arith.constant 5 : i32
    %get3A_1268 = arith.index_cast %get3A_1267 : i32 to index
    %get3A_1269 = arith.constant 80 : index
    %get3A_1270 = tpu.vector_load %arg7[%get3A_1268, %get3A_1269] {strides = array<i32>} : memref<8x128xf32, #tpu.memory_space<vmem>>, vector<1x16xf32>,
    %get3A_1271 = vector.shape_cast %get3A_1270 : vector<1x16xf32> to vector<16xf32>
    %add3A_1272 = arith.addf %add3A_1266, %get3A_1271 : vector<16xf32>
    %get3A_1273 = arith.constant 5 : i32
    %get3A_1274 = arith.index_cast %get3A_1273 : i32 to index
    %get3A_1275 = arith.constant 96 : index
    %get3A_1276 = tpu.vector_load %arg7[%get3A_1274, %get3A_1275] {strides = array<i32>} : memref<8x128xf32, #tpu.memory_space<vmem>>, vector<1x16xf32>,
    %get3A_1277 = vector.shape_cast %get3A_1276 : vector<1x16xf32> to vector<16xf32>
    %add3A_1278 = arith.addf %add3A_1272, %get3A_1277 : vector<16xf32>
    %get3A_1279 = arith.constant 5 : i32
    %get3A_1280 = arith.index_cast %get3A_1279 : i32 to index
    %get3A_1281 = arith.constant 112 : index
    %get3A_1282 = tpu.vector_load %arg7[%get3A_1280, %get3A_1281] {strides = array<i32>} : memref<8x128xf32, #tpu.memory_space<vmem>>, vector<1x16xf32>,
    %get3A_1283 = vector.shape_cast %get3A_1282 : vector<1x16xf32> to vector<16xf32>
    %add3A_1284 = arith.addf %add3A_1278, %get3A_1283 : vector<16xf32>
    %get3A_1285 = arith.constant 6 : i32
    %get3A_1286 = arith.index_cast %get3A_1285 : i32 to index
    %get3A_1287 = arith.constant 0 : index
    %get3A_1288 = tpu.vector_load %arg7[%get3A_1286, %get3A_1287] {strides = array<i32>} : memref<8x128xf32, #tpu.memory_space<vmem>>, vector<1x16xf32>,
    %get3A_1289 = vector.shape_cast %get3A_1288 : vector<1x16xf32> to vector<16xf32>
    %add3A_1290 = arith.addf %add3A_1284, %get3A_1289 : vector<16xf32>
    %get3A_1291 = arith.constant 6 : i32
    %get3A_1292 = arith.index_cast %get3A_1291 : i32 to index
    %get3A_1293 = arith.constant 16 : index
    %get3A_1294 = tpu.vector_load %arg7[%get3A_1292, %get3A_1293] {strides = array<i32>} : memref<8x128xf32, #tpu.memory_space<vmem>>, vector<1x16xf32>,
    %get3A_1295 = vector.shape_cast %get3A_1294 : vector<1x16xf32> to vector<16xf32>
    %add3A_1296 = arith.addf %add3A_1290, %get3A_1295 : vector<16xf32>
    %get3A_1297 = arith.constant 6 : i32
    %get3A_1298 = arith.index_cast %get3A_1297 : i32 to index
    %get3A_1299 = arith.constant 32 : index
    %get3A_1300 = tpu.vector_load %arg7[%get3A_1298, %get3A_1299] {strides = array<i32>} : memref<8x128xf32, #tpu.memory_space<vmem>>, vector<1x16xf32>,
    %get3A_1301 = vector.shape_cast %get3A_1300 : vector<1x16xf32> to vector<16xf32>
    %add3A_1302 = arith.addf %add3A_1296, %get3A_1301 : vector<16xf32>
    %get3A_1303 = arith.constant 6 : i32
    %get3A_1304 = arith.index_cast %get3A_1303 : i32 to index
    %get3A_1305 = arith.constant 48 : index
    %get3A_1306 = tpu.vector_load %arg7[%get3A_1304, %get3A_1305] {strides = array<i32>} : memref<8x128xf32, #tpu.memory_space<vmem>>, vector<1x16xf32>,
    %get3A_1307 = vector.shape_cast %get3A_1306 : vector<1x16xf32> to vector<16xf32>
    %add3A_1308 = arith.addf %add3A_1302, %get3A_1307 : vector<16xf32>
    %get3A_1309 = arith.constant 6 : i32
    %get3A_1310 = arith.index_cast %get3A_1309 : i32 to index
    %get3A_1311 = arith.constant 64 : index
    %get3A_1312 = tpu.vector_load %arg7[%get3A_1310, %get3A_1311] {strides = array<i32>} : memref<8x128xf32, #tpu.memory_space<vmem>>, vector<1x16xf32>,
    %get3A_1313 = vector.shape_cast %get3A_1312 : vector<1x16xf32> to vector<16xf32>
    %add3A_1314 = arith.addf %add3A_1308, %get3A_1313 : vector<16xf32>
    %get3A_1315 = arith.constant 6 : i32
    %get3A_1316 = arith.index_cast %get3A_1315 : i32 to index
    %get3A_1317 = arith.constant 80 : index
    %get3A_1318 = tpu.vector_load %arg7[%get3A_1316, %get3A_1317] {strides = array<i32>} : memref<8x128xf32, #tpu.memory_space<vmem>>, vector<1x16xf32>,
    %get3A_1319 = vector.shape_cast %get3A_1318 : vector<1x16xf32> to vector<16xf32>
    %add3A_1320 = arith.addf %add3A_1314, %get3A_1319 : vector<16xf32>
    %get3A_1321 = arith.constant 6 : i32
    %get3A_1322 = arith.index_cast %get3A_1321 : i32 to index
    %get3A_1323 = arith.constant 96 : index
    %get3A_1324 = tpu.vector_load %arg7[%get3A_1322, %get3A_1323] {strides = array<i32>} : memref<8x128xf32, #tpu.memory_space<vmem>>, vector<1x16xf32>,
    %get3A_1325 = vector.shape_cast %get3A_1324 : vector<1x16xf32> to vector<16xf32>
    %add3A_1326 = arith.addf %add3A_1320, %get3A_1325 : vector<16xf32>
    %get3A_1327 = arith.constant 6 : i32
    %get3A_1328 = arith.index_cast %get3A_1327 : i32 to index
    %get3A_1329 = arith.constant 112 : index
    %get3A_1330 = tpu.vector_load %arg7[%get3A_1328, %get3A_1329] {strides = array<i32>} : memref<8x128xf32, #tpu.memory_space<vmem>>, vector<1x16xf32>,
    %get3A_1331 = vector.shape_cast %get3A_1330 : vector<1x16xf32> to vector<16xf32>
    %add3A_1332 = arith.addf %add3A_1326, %get3A_1331 : vector<16xf32>
    %get3A_1333 = arith.constant 7 : i32
    %get3A_1334 = arith.index_cast %get3A_1333 : i32 to index
    %get3A_1335 = arith.constant 0 : index
    %get3A_1336 = tpu.vector_load %arg7[%get3A_1334, %get3A_1335] {strides = array<i32>} : memref<8x128xf32, #tpu.memory_space<vmem>>, vector<1x16xf32>,
    %get3A_1337 = vector.shape_cast %get3A_1336 : vector<1x16xf32> to vector<16xf32>
    %add3A_1338 = arith.addf %add3A_1332, %get3A_1337 : vector<16xf32>
    %get3A_1339 = arith.constant 7 : i32
    %get3A_1340 = arith.index_cast %get3A_1339 : i32 to index
    %get3A_1341 = arith.constant 16 : index
    %get3A_1342 = tpu.vector_load %arg7[%get3A_1340, %get3A_1341] {strides = array<i32>} : memref<8x128xf32, #tpu.memory_space<vmem>>, vector<1x16xf32>,
    %get3A_1343 = vector.shape_cast %get3A_1342 : vector<1x16xf32> to vector<16xf32>
    %add3A_1344 = arith.addf %add3A_1338, %get3A_1343 : vector<16xf32>
    %get3A_1345 = arith.constant 7 : i32
    %get3A_1346 = arith.index_cast %get3A_1345 : i32 to index
    %get3A_1347 = arith.constant 32 : index
    %get3A_1348 = tpu.vector_load %arg7[%get3A_1346, %get3A_1347] {strides = array<i32>} : memref<8x128xf32, #tpu.memory_space<vmem>>, vector<1x16xf32>,
    %get3A_1349 = vector.shape_cast %get3A_1348 : vector<1x16xf32> to vector<16xf32>
    %add3A_1350 = arith.addf %add3A_1344, %get3A_1349 : vector<16xf32>
    %get3A_1351 = arith.constant 7 : i32
    %get3A_1352 = arith.index_cast %get3A_1351 : i32 to index
    %get3A_1353 = arith.constant 48 : index
    %get3A_1354 = tpu.vector_load %arg7[%get3A_1352, %get3A_1353] {strides = array<i32>} : memref<8x128xf32, #tpu.memory_space<vmem>>, vector<1x16xf32>,
    %get3A_1355 = vector.shape_cast %get3A_1354 : vector<1x16xf32> to vector<16xf32>
    %add3A_1356 = arith.addf %add3A_1350, %get3A_1355 : vector<16xf32>
    %get3A_1357 = arith.constant 7 : i32
    %get3A_1358 = arith.index_cast %get3A_1357 : i32 to index
    %get3A_1359 = arith.constant 64 : index
    %get3A_1360 = tpu.vector_load %arg7[%get3A_1358, %get3A_1359] {strides = array<i32>} : memref<8x128xf32, #tpu.memory_space<vmem>>, vector<1x16xf32>,
    %get3A_1361 = vector.shape_cast %get3A_1360 : vector<1x16xf32> to vector<16xf32>
    %add3A_1362 = arith.addf %add3A_1356, %get3A_1361 : vector<16xf32>
    %get3A_1363 = arith.constant 7 : i32
    %get3A_1364 = arith.index_cast %get3A_1363 : i32 to index
    %get3A_1365 = arith.constant 80 : index
    %get3A_1366 = tpu.vector_load %arg7[%get3A_1364, %get3A_1365] {strides = array<i32>} : memref<8x128xf32, #tpu.memory_space<vmem>>, vector<1x16xf32>,
    %get3A_1367 = vector.shape_cast %get3A_1366 : vector<1x16xf32> to vector<16xf32>
    %add3A_1368 = arith.addf %add3A_1362, %get3A_1367 : vector<16xf32>
    %get3A_1369 = arith.constant 7 : i32
    %get3A_1370 = arith.index_cast %get3A_1369 : i32 to index
    %get3A_1371 = arith.constant 96 : index
    %get3A_1372 = tpu.vector_load %arg7[%get3A_1370, %get3A_1371] {strides = array<i32>} : memref<8x128xf32, #tpu.memory_space<vmem>>, vector<1x16xf32>,
    %get3A_1373 = vector.shape_cast %get3A_1372 : vector<1x16xf32> to vector<16xf32>
    %add3A_1374 = arith.addf %add3A_1368, %get3A_1373 : vector<16xf32>
    %get3A_1375 = arith.constant 7 : i32
    %get3A_1376 = arith.index_cast %get3A_1375 : i32 to index
    %get3A_1377 = arith.constant 112 : index
    %get3A_1378 = tpu.vector_load %arg7[%get3A_1376, %get3A_1377] {strides = array<i32>} : memref<8x128xf32, #tpu.memory_space<vmem>>, vector<1x16xf32>,
    %get3A_1379 = vector.shape_cast %get3A_1378 : vector<1x16xf32> to vector<16xf32>
    %add3A_1380 = arith.addf %add3A_1374, %get3A_1379 : vector<16xf32>
    %swap3A_1381 = arith.constant 0 : index
    %swap3A_1382 = tpu.vector_load %arg8[%swap3A_1381] {strides = array<i32>} : memref<16xf32, #tpu.memory_space<vmem>>, vector<16xf32>,
    %swap3A_1383 = vector.shape_cast %swap3A_1382 : vector<16xf32> to vector<16xf32>
    %swap3A_1384 = vector.shape_cast %add3A_1380 : vector<16xf32> to vector<16xf32>
    tpu.vector_store %arg8[%swap3A_1381], %swap3A_1384 {strides = array<i32>} : memref<16xf32, #tpu.memory_space<vmem>>, vector<16xf32>,
    "tpu.region"() ({
      %run_scoped3A = tpu.sem_alloc : memref<!tpu.dma_semaphore, #tpu.memory_space<semaphore_mem>>
      %dma_start3A_1385 = arith.constant 0 : i32
      %dma_start3A_1386 = tpu.memref_slice %arg4[%add3A, %dma_start3A_1385] : memref<32x16xf32, #tpu.memory_space<hbm>> -> memref<1x16xf32, #tpu.memory_space<hbm>>
      %dma_start3A_1387 = tpu.memref_squeeze %dma_start3A_1386 : memref<1x16xf32, #tpu.memory_space<hbm>> -> memref<16xf32, #tpu.memory_space<hbm>>
      %dma_start3A_1388 = arith.constant 0 : i32
      %dma_start3A_1389 = tpu.memref_slice %arg4[%add3A, %dma_start3A_1388] : memref<32x16xf32, #tpu.memory_space<hbm>> -> memref<1x16xf32, #tpu.memory_space<hbm>>
      %dma_start3A_1390 = tpu.memref_squeeze %dma_start3A_1389 : memref<1x16xf32, #tpu.memory_space<hbm>> -> memref<16xf32, #tpu.memory_space<hbm>>
      tpu.enqueue_dma source(%arg8 : memref<16xf32, #tpu.memory_space<vmem>>) target(%dma_start3A_1390 : memref<16xf32, #tpu.memory_space<hbm>>) target_semaphore(%run_scoped3A : memref<!tpu.dma_semaphore, #tpu.memory_space<semaphore_mem>>)
      %dma_wait3A_1391 = arith.constant 0 : i32
      %dma_wait3A_1392 = tpu.memref_slice %arg4[%add3A, %dma_wait3A_1391] : memref<32x16xf32, #tpu.memory_space<hbm>> -> memref<1x16xf32, #tpu.memory_space<hbm>>
      %dma_wait3A_1393 = tpu.memref_squeeze %dma_wait3A_1392 : memref<1x16xf32, #tpu.memory_space<hbm>> -> memref<16xf32, #tpu.memory_space<hbm>>
      %dma_wait3A_1394 = arith.constant 0 : i32
      %dma_wait3A_1395 = tpu.memref_slice %arg4[%add3A, %dma_wait3A_1394] : memref<32x16xf32, #tpu.memory_space<hbm>> -> memref<1x16xf32, #tpu.memory_space<hbm>>
      %dma_wait3A_1396 = tpu.memref_squeeze %dma_wait3A_1395 : memref<1x16xf32, #tpu.memory_space<hbm>> -> memref<16xf32, #tpu.memory_space<hbm>>
      tpu.wait_dma2 semaphore(%run_scoped3A : memref<!tpu.dma_semaphore, #tpu.memory_space<semaphore_mem>>) src(%arg8 : memref<16xf32, #tpu.memory_space<vmem>>) dst(%dma_wait3A_1396 : memref<16xf32, #tpu.memory_space<hbm>>)
      tpu.yield
    }) : () -> ()
    return
  }
}

module attributes {stable_mosaic.version = 14 : i64} {
  func.func @_dense_body(%arg0: i32, %arg1: memref<2048x1024xf32, #tpu.memory_space<vmem>>, %arg2: memref<1x128xf32, #tpu.memory_space<vmem>>) attributes {dimension_semantics = [#tpu.dimension_semantics<arbitrary>], iteration_bounds = array<i64: 16>, scalar_prefetch = 0 : i64, scratch_operands = 0 : i64, tpu.core_type = #tpu.core_type<tc>, window_params = [{transform_indices = @transform_0, window_bounds = array<i64: 2048, 1024>}, {pipeline_mode = #tpu.pipeline_mode<synchronous>, transform_indices = @transform_1, window_bounds = array<i64: 1, 128>}]} {
    %get3A = arith.constant 0 : index
    %get3A_0 = arith.constant 0 : index
    %get3A_1 = vector.load %arg1[%get3A, %get3A_0] : memref<2048x1024xf32, #tpu.memory_space<vmem>>, vector<2048x1024xf32>
    %reduce_max3A = arith.constant dense<0xFF800000> : vector<2048xf32>
    %reduce_max3A_2 = vector.multi_reduction <maximumf>, %get3A_1, %reduce_max3A [1] : vector<2048x1024xf32> to vector<2048xf32>
    %broadcast_in_dim3A = vector.shape_cast %reduce_max3A_2 : vector<2048xf32> to vector<2048x1xf32>
    %sub3A = vector.broadcast %broadcast_in_dim3A : vector<2048x1xf32> to vector<2048x1024xf32>
    %sub3A_3 = arith.subf %get3A_1, %sub3A : vector<2048x1024xf32>
    %exp3A = math.exp %sub3A_3 : vector<2048x1024xf32>
    %reduce_sum3A = arith.constant dense<0.000000e+00> : vector<2048xf32>
    %reduce_sum3A_4 = vector.multi_reduction <add>, %exp3A, %reduce_sum3A [1] : vector<2048x1024xf32> to vector<2048xf32>
    %squeeze3A = vector.shape_cast %broadcast_in_dim3A : vector<2048x1xf32> to vector<2048xf32>
    %log3A = math.log %reduce_sum3A_4 : vector<2048xf32>
    %add3A = arith.addf %squeeze3A, %log3A : vector<2048xf32>
    %reduce_sum3A_5 = vector.shape_cast %add3A : vector<2048xf32> to vector<1x2048xf32>
    %reduce_sum3A_6 = arith.constant dense<0.000000e+00> : vector<1xf32>
    %reduce_sum3A_7 = vector.multi_reduction <add>, %reduce_sum3A_5, %reduce_sum3A_6 [1] : vector<1x2048xf32> to vector<1xf32>
    %reduce_sum3A_8 = vector.shape_cast %reduce_sum3A_7 : vector<1xf32> to vector<1x1xf32>
    %reduce_sum3A_9 = vector.extract %reduce_sum3A_8[0, 0] : f32 from vector<1x1xf32>
    %sub3A_10 = arith.constant -1.000000e+01 : f32
    %sub3A_11 = vector.broadcast %sub3A_10 : f32 to vector<2048x1024xf32>
    %sub3A_12 = arith.subf %sub3A_11, %sub3A_3 : vector<2048x1024xf32>
    %max3A = arith.constant 0.000000e+00 : f32
    %max3A_13 = vector.broadcast %max3A : f32 to vector<2048x1024xf32>
    %max3A_14 = arith.maximumf %sub3A_12, %max3A_13 : vector<2048x1024xf32>
    %reduce_sum3A_15 = vector.shape_cast %max3A_14 : vector<2048x1024xf32> to vector<1x2048x1024xf32>
    %reduce_sum3A_16 = arith.constant dense<0.000000e+00> : vector<1xf32>
    %reduce_sum3A_17 = vector.multi_reduction <add>, %reduce_sum3A_15, %reduce_sum3A_16 [1, 2] : vector<1x2048x1024xf32> to vector<1xf32>
    %reduce_sum3A_18 = vector.shape_cast %reduce_sum3A_17 : vector<1xf32> to vector<1x1x1xf32>
    %reduce_sum3A_19 = vector.extract %reduce_sum3A_18[0, 0, 0] : f32 from vector<1x1x1xf32>
    %reduce_sum3A_20 = vector.shape_cast %get3A_1 : vector<2048x1024xf32> to vector<1x2048x1024xf32>
    %reduce_sum3A_21 = arith.constant dense<0.000000e+00> : vector<1xf32>
    %reduce_sum3A_22 = vector.multi_reduction <add>, %reduce_sum3A_20, %reduce_sum3A_21 [1, 2] : vector<1x2048x1024xf32> to vector<1xf32>
    %reduce_sum3A_23 = vector.shape_cast %reduce_sum3A_22 : vector<1xf32> to vector<1x1x1xf32>
    %reduce_sum3A_24 = vector.extract %reduce_sum3A_23[0, 0, 0] : f32 from vector<1x1x1xf32>
    %iota3A = tpu.iota {dimensions = array<i32: 1>} : vector<1x128xi32>
    %eq3A = arith.constant 0 : i32
    %eq3A_25 = vector.broadcast %eq3A : i32 to vector<1x128xi32>
    %eq3A_26 = arith.cmpi eq, %iota3A, %eq3A_25 : vector<1x128xi32>
    %jit3A = arith.constant 0.000000e+00 : f32
    %broadcast_in_dim3A_27 = vector.broadcast %reduce_sum3A_9 : f32 to vector<1x128xf32>
    %broadcast_in_dim3A_28 = vector.broadcast %jit3A : f32 to vector<1x128xf32>
    %select_n3A = arith.select %eq3A_26, %broadcast_in_dim3A_27, %broadcast_in_dim3A_28 : vector<1x128xi1>, vector<1x128xf32>
    %eq3A_29 = arith.constant 2 : i32
    %eq3A_30 = vector.broadcast %eq3A_29 : i32 to vector<1x128xi32>
    %eq3A_31 = arith.cmpi eq, %iota3A, %eq3A_30 : vector<1x128xi32>
    %jit3A_32 = arith.constant 0.000000e+00 : f32
    %broadcast_in_dim3A_33 = vector.broadcast %reduce_sum3A_19 : f32 to vector<1x128xf32>
    %broadcast_in_dim3A_34 = vector.broadcast %jit3A_32 : f32 to vector<1x128xf32>
    %select_n3A_35 = arith.select %eq3A_31, %broadcast_in_dim3A_33, %broadcast_in_dim3A_34 : vector<1x128xi1>, vector<1x128xf32>
    %add3A_36 = arith.addf %select_n3A, %select_n3A_35 : vector<1x128xf32>
    %eq3A_37 = arith.constant 3 : i32
    %eq3A_38 = vector.broadcast %eq3A_37 : i32 to vector<1x128xi32>
    %eq3A_39 = arith.cmpi eq, %iota3A, %eq3A_38 : vector<1x128xi32>
    %jit3A_40 = arith.constant 0.000000e+00 : f32
    %broadcast_in_dim3A_41 = vector.broadcast %reduce_sum3A_24 : f32 to vector<1x128xf32>
    %broadcast_in_dim3A_42 = vector.broadcast %jit3A_40 : f32 to vector<1x128xf32>
    %select_n3A_43 = arith.select %eq3A_39, %broadcast_in_dim3A_41, %broadcast_in_dim3A_42 : vector<1x128xi1>, vector<1x128xf32>
    %add3A_44 = arith.addf %add3A_36, %select_n3A_43 : vector<1x128xf32>
    %eq3A_45 = arith.constant 0 : i32
    %eq3A_46 = arith.cmpi eq, %arg0, %eq3A_45 : i32
    %convert_element_type3A = arith.extui %eq3A_46 : i1 to i32
    %cond3A = arith.constant 0 : i32
    %cond3A_47 = arith.cmpi ne, %convert_element_type3A, %cond3A : i32
    scf.if %cond3A_47 {
      %broadcast_in_dim3A_54 = arith.constant 0.000000e+00 : f32
      %broadcast_in_dim3A_55 = vector.broadcast %broadcast_in_dim3A_54 : f32 to vector<1x128xf32>
      %swap3A_56 = arith.constant 0 : index
      %swap3A_57 = arith.constant 0 : index
      %swap3A_58 = vector.load %arg2[%swap3A_56, %swap3A_57] : memref<1x128xf32, #tpu.memory_space<vmem>>, vector<1x128xf32>
      tpu.vector_store %arg2[%swap3A_56, %swap3A_57], %broadcast_in_dim3A_55 {strides = array<i32>} : memref<1x128xf32, #tpu.memory_space<vmem>>, vector<1x128xf32>,
    } else {
    }
    %get3A_48 = arith.constant 0 : index
    %get3A_49 = arith.constant 0 : index
    %get3A_50 = vector.load %arg2[%get3A_48, %get3A_49] : memref<1x128xf32, #tpu.memory_space<vmem>>, vector<1x128xf32>
    %add3A_51 = arith.addf %get3A_50, %add3A_44 : vector<1x128xf32>
    %swap3A = arith.constant 0 : index
    %swap3A_52 = arith.constant 0 : index
    %swap3A_53 = vector.load %arg2[%swap3A, %swap3A_52] : memref<1x128xf32, #tpu.memory_space<vmem>>, vector<1x128xf32>
    tpu.vector_store %arg2[%swap3A, %swap3A_52], %add3A_51 {strides = array<i32>} : memref<1x128xf32, #tpu.memory_space<vmem>>, vector<1x128xf32>,
    return
  }
  func.func @transform_0(%arg0: i32) -> (i32, i32) {
    %c0_i32 = arith.constant 0 : i32
    %c0_i32_0 = arith.constant 0 : i32
    return %arg0, %c0_i32 : i32, i32
  }
  func.func @transform_1(%arg0: i32) -> (i32, i32) {
    %c0_i32 = arith.constant 0 : i32
    %c0_i32_0 = arith.constant 0 : i32
    %c0_i32_1 = arith.constant 0 : i32
    return %c0_i32, %c0_i32_0 : i32, i32
  }
}

</mosaic_0001>

<sc_bundles>
// kernel: kernel.4.cloned.1.call-start
scs
__scs_entry_jumppad:
0x0: {  	(pc) =	sbr.rel $0x88, $3  }
0x1: {  	(tag) =	ssettag $0x0;
	lr =	simm.s32 $0x1  }
0x2: {  	[smem:$0x3F9F] =	sst lr;
	_ =	strace $0xD0000000  }
0x3: {  	_ = 	snop  }
0x4: {  	_ = 	snop  }
0x5: {  	_ = 	snop  }
0x6: {  	_ = 	snop  }
0x7: {  	_ = 	snop  }
__scs_overlays_trampoline_lowered:
0x8: {  	[smem:$0x3FAE] =	sst s0  }
0x9: {  	[smem:$0x3FAF] =	sst s1  }
0xa: {  	[smem:$0x3FB0] =	sst s2  }
0xb: {  	[smem:$0x3FB1] =	sst s3  }
0xc: {  	[smem:$0x3FB2] =	sst s4  }
0xd: {  	[smem:$0x3FB3] =	sst s5  }
0xe: {  	[smem:$0x3FB4] =	sst s6  }
0xf: {  	[smem:$0x3FB5] =	sst s7  }
0x10: {  	[smem:$0x3FB6] =	sst s8  }
0x11: {  	[smem:$0x3FB7] =	sst s9;
	s0 =	simm.s32 @!p0 $0x0  }
0x12: {  	s1 =	sld [smem:$0x3F9D];
	s0 =	simm.s32 @p0 $0x1  }
0x13: {  	[smem:$0x3FB8] =	sst s0;
	s0 =	simm.s32 @!p1 $0x0  }
0x14: {  	s2 =	sld [smem:$0x3F9C];
	s0 =	simm.s32 @p1 $0x1  }
0x15: {  	[smem:$0x3FB9] =	sst s0;
	s0 =	simm.s32 @!p2 $0x0  }
0x16: {  	s3 =	sld [smem:$0x3FDB];
	s0 =	simm.s32 @p2 $0x1  }
0x17: {  	s4 =	simm.s32 $0x1BF5;
	[smem:$0x3FBB] =	sst s0  }
0x18: {  	s0 =	sld [smem:$0x3F9E];
	_ =	swait.ge [sflag:s4], $0x0  }
0x19: {  	s7 =	sld [smem:$0x3F9F]  }
0x1a: {  	s8 =	sadd.s32 $0xFFFFE003, lr  }
0x1b: {  	s9 =	sadd.s32 $0xFFFFFEF7, lr;
	s5 =	simm.s32 $0xFFFFFFFF;
	p2 =	slt.u32 s8, $0xFFFFF086  }
0x1c: {  	p1 =	slt.u32 s9, $0xF7A;
	s5 =	simm.s32 @!p2 $0x0  }
0x1d: {  	s5 =	simm.s32 @p1 $0x1;
	p0 =	seq.s32 s7, s2  }
0x1e: {  	s7 =	smul.u32 @!p0 $0xF7A, s2;
	p2 =	seq.s32 @!p0 s5, $0x0  }
0x1f: {  	s9 =	smul.u32 $0xF7A, s1;
	s8 =	simm.s32 @!p0 $0x1BF5;
	p2 =	por !p2, p0  }
0x20: {  	[sflag:s8] =	ssyncset.s32 @!p0 $0xFFFFF086;
	s6 =	sadd.s32 @!p0 s3, s7;
	s7 =	simm.s32 @!p0 $0x108  }
0x21: {  	s3 =	sadd.s32 s3, s9;
	s6 =	sadd.s32 @!p0 $0x88, s6;
	s7 =	simm.s32 @p2 $0x1082  }
0x22: {  	[simem:s7], [sflag:s8] =	dma.local @!p0 [hbm:s6], $0xF7A  }
0x23: {  	s9 =	sor.u32 $0xD0000000, s2;
	s6 =	simm.s32 $0x108;
	_ =	swait.ge @!p0 [sflag:s8], $0x0  }
0x24: {  	s3 =	sadd.s32 $0x88, s3;
	s6 =	simm.s32 @!p1 $0x1082;
	[sflag:s4] =	ssyncset.s32 $0xFFFFF086  }
0x25: {  	[simem:s6], [sflag:s4] =	dma.local [hbm:s3], $0xF7A  }
0x26: {  	[smem:$0x3F9F] =	sst s1;
	(tag) =	ssettag s2;
	_ =	strace s9  }
0x27: {  	s1 =	sld [smem:$0x3FAF]  }
0x28: {  	s2 =	sld [smem:$0x3FB0]  }
0x29: {  	s4 =	sld [smem:$0x3FB2]  }
0x2a: {  	p0 =	seq.s32 s5, $0x0;
	s5 =	sld [smem:$0x3FB3]  }
0x2b: {  	s6 =	sld [smem:$0x3FB4]  }
0x2c: {  	s7 =	sld [smem:$0x3FB5]  }
0x2d: {  	s3 =	simm.s32 $0x108;
	s8 =	sld [smem:$0x3FB6]  }
0x2e: {  	s3 =	simm.s32 @!p0 $0x1082;
	s9 =	sld [smem:$0x3FB7]  }
0x2f: {  	lr =	sadd.s32 s0, s3;
	s0 =	sld [smem:$0x3FAE]  }
0x30: {  	s3 =	sld [smem:$0x3FB1]  }
0x31: {  	[smem:$0x3FBA] =	sst s10  }
0x32: {  	s10 =	sld [smem:$0x3FB8];
	_ =	sdelay $0x3  }
0x33: {  	p0 =	seq.s32 s10, $0x1;
	s10 =	sld [smem:$0x3FBA];
	_ =	sdelay $0x3  }
0x34: {  	[smem:$0x3FBA] =	sst s10  }
0x35: {  	s10 =	sld [smem:$0x3FB9];
	_ =	sdelay $0x3  }
0x36: {  	p1 =	seq.s32 s10, $0x1;
	s10 =	sld [smem:$0x3FBA];
	_ =	sdelay $0x3  }
0x37: {  	[smem:$0x3FBA] =	sst s10  }
0x38: {  	s10 =	sld [smem:$0x3FBB]  }
0x39: {  	_ = 	snop;
	(pc) =	sbr.ind lr, $3  }
0x3a: {  	_ = 	snop  }
0x3b: {  	_ = 	snop  }
0x3c: {  	p2 =	seq.s32 s10, $0x1;
	s10 =	sld [smem:$0x3FBA]  }
0x3d: {  	_ =	shalt  }
0x3e: {  	_ =	shalt  }
0x3f: {  	_ =	shalt  }
0x40: {  	_ =	shalt  }
0x41: {  	_ =	shalt  }
0x42: {  	_ =	shalt  }
0x43: {  	_ =	shalt  }
0x44: {  	_ =	shalt  }
0x45: {  	_ =	shalt  }
0x46: {  	_ =	shalt  }
0x47: {  	_ =	shalt  }
0x48: {  	_ =	shalt  }
0x49: {  	_ =	shalt  }
0x4a: {  	_ =	shalt  }
0x4b: {  	_ =	shalt  }
0x4c: {  	_ =	shalt  }
0x4d: {  	_ =	shalt  }
0x4e: {  	_ =	shalt  }
0x4f: {  	_ =	shalt  }
0x50: {  	_ =	shalt  }
0x51: {  	_ =	shalt  }
0x52: {  	_ =	shalt  }
0x53: {  	_ =	shalt  }
0x54: {  	_ =	shalt  }
0x55: {  	_ =	shalt  }
0x56: {  	_ =	shalt  }
0x57: {  	_ =	shalt  }
0x58: {  	_ =	shalt  }
0x59: {  	_ =	shalt  }
0x5a: {  	_ =	shalt  }
0x5b: {  	_ =	shalt  }
0x5c: {  	_ =	shalt  }
0x5d: {  	_ =	shalt  }
0x5e: {  	_ =	shalt  }
0x5f: {  	_ =	shalt  }
0x60: {  	_ =	shalt  }
0x61: {  	_ =	shalt  }
0x62: {  	_ =	shalt  }
0x63: {  	_ =	shalt  }
0x64: {  	_ =	shalt  }
0x65: {  	_ =	shalt  }
0x66: {  	_ =	shalt  }
0x67: {  	_ =	shalt  }
0x68: {  	_ =	shalt  }
0x69: {  	_ =	shalt  }
0x6a: {  	_ =	shalt  }
0x6b: {  	_ =	shalt  }
0x6c: {  	_ =	shalt  }
0x6d: {  	_ =	shalt  }
0x6e: {  	_ =	shalt  }
0x6f: {  	_ =	shalt  }
0x70: {  	_ =	shalt  }
0x71: {  	_ =	shalt  }
0x72: {  	_ =	shalt  }
0x73: {  	_ =	shalt  }
0x74: {  	_ =	shalt  }
0x75: {  	_ =	shalt  }
0x76: {  	_ =	shalt  }
0x77: {  	_ =	shalt  }
0x78: {  	_ =	shalt  }
0x79: {  	_ =	shalt  }
0x7a: {  	_ =	shalt  }
0x7b: {  	_ =	shalt  }
0x7c: {  	_ =	shalt  }
0x7d: {  	_ =	shalt  }
0x7e: {  	_ =	shalt  }
0x7f: {  	_ =	shalt  }
0x80: {  	_ =	shalt  }
0x81: {  	_ =	shalt  }
0x82: {  	_ =	shalt  }
0x83: {  	_ =	shalt  }
0x84: {  	_ =	shalt  }
0x85: {  	_ =	shalt  }
0x86: {  	_ =	shalt  }
0x87: {  	_ =	shalt  }
.Lfunc_end0:
.L_simem_size_0:
called_computation.1_lowered:
.L_overlay_start_0:
0x88: {  	s2 =	sld [smem:$0x3FD9]  }
0x89: {  	s3 =	sld [smem:$0x3FFE];
	_ =	sdelay $0x1  }
0x8a: {  	s1 =	srdreg.scid  }
0x8b: {  	s0 =	sand.u32 $0x1, s1  }
0x8c: {  	s17 =	sshll.u32 s0, $0xA;
	s2 =	sadd.s32 s3, s2  }
0x8d: {  	s2 =	sadd.s32 s2, s17  }
0x8e: {  	[smem:$0x3FC6] =	sst s2  }
0x8f: {  	_ = 	snop  }
0x90: {  	s2 =	sld [smem:$0x3FC8];
	(tm) =	ssettm $0x1  }
0x91: {  	s18 =	sld [smem:$0x3FFB];
	_ =	sdelay $0x3  }
0x92: {  	_ =	strace s18  }
0x93: {  	s3 =	sld [smem:$0x3FFC];
	_ =	sdelay $0x3  }
0x94: {  	_ =	strace s3  }
0x95: {  	s3 =	sld [smem:$0x3FFD];
	_ =	sdelay $0x3  }
0x96: {  	_ =	strace s3  }
0x97: {  	_ =	strace $0x8FFFFFFF  }
0x98: {  	s19 =	sld [smem:$0x3FDB];
	_ =	sdelay $0x1  }
0x99: {  	s4 =	simm.s32 $_scs_section_size  }
0x9a: {  	s5 =	simm.s32 $_size__tile_overlayer_lowered;
	s6 =	simm.s32 $_tile_overlayer_lowered  }
0x9b: {  	s22 =	simm.s32 $0x1BFF;
	s21 =	sshll.u32 s6, $0x1;
	s3 =	sadd.s32 s4, s19  }
0x9c: {  	s7 =	simm.s32 $0x0;
	s20 =	sshll.u32 s5, $0x1;
	s5 =	sadd.s32 s21, s3  }
0x9d: {  	[timem:s7], [sflag:s22] =	dma.local [hbm:s5], s20  }
0x9e: {  	_ =	swait.ge [sflag:s22], s20  }
0x9f: {  	s4 =	ssub.s32 $0x0, s20;
	[sflag:s22] =	ssyncset.done $0x0  }
0xa0: {  	[sflag:s22] =	ssyncadd.s32 s4;
	_ =	sdelay $0x1  }
0xa1: {  	s23 =	simm.s32 $0x1B8B  }
0xa2: {  	_ =	swait.ge [sflag:s23], $0x1  }
0xa3: {  	[sflag:s23] =	ssyncset.done $0x0  }
0xa4: {  	s25 =	simm.s32 $0x1B8E;
	s24 =	sld [smem:$0x3FFE];
	[sflag:s23] =	ssyncadd.s32 $0xFFFFFFFF  }
0xa5: {  	s26 =	simm.s32 $execute0_lowered;
	[smem:$0x3FD2] =	sst s25  }
0xa6: {  	s5 =	sshll.u32 s26, $0x1;
	_ =	strace $0x80000049;
	[dreg:$0x1] =	wrdreg $0xFFFFFFFF  }
0xa7: {  	s28 =	simm.s32 $_size_execute0_lowered;
	s3 =	sadd.s32 s3, s5;
	[dreg:$0x0] =	wrdreg $0x0  }
0xa8: {  	s5 =	sshll.u32 s28, $0x1;
	[dreg:$0x2] =	wrdreg s3  }
0xa9: {  	[dreg:$0x3] =	wrdreg s5  }
0xaa: {  	[dreg:$0x4] =	wrdreg $0xC0  }
0xab: {  	_ =	task [dreg:s7], $0x5FFFF  }
0xac: {  	[dreg:$0x1] =	wrdreg $0xFFFFFFFF  }
0xad: {  	[dreg:$0x0] =	wrdreg $0x60  }
0xae: {  	[dreg:$0x2] =	wrdreg s24  }
0xaf: {  	[dreg:$0x3] =	wrdreg s2  }
0xb0: {  	[dreg:$0x4] =	wrdreg $0x9  }
0xb1: {  	_ =	task.clear_ibuf [dreg:s7], $0x5FFFF;
	_ =	strace $0x90000049  }
0xb2: {  	s29 =	simm.s32 $0x9;
	_ =	strace $0x8000004B  }
0xb3: {  	_ =	swait.ge [sflag:s29], $0x1  }
0xb4: {  	[sflag:s29] =	ssyncadd.s32 $0xFFFFFFFF  }
0xb5: {  	_ =	strace $0x9000004B  }
0xb6: {  	_ =	sfence  }
0xb7: {  	s30 =	sld [smem:$0x0];
	_ =	sdelay $0x2  }
0xb8: {  	s31 =	sshll.u32 s1, $0xD;
	s1 =	sshrl.u32 s1, $0x2  }
0xb9: {  	s3 =	sand.u32 $0x4000, s31;
	s1 =	sadd.s32 s1, s30  }
0xba: {  	s0 =	sor.u32 s3, s0;
	s1 =	sshll.u32 s1, $0x11  }
0xbb: {  	s0 =	sor.u32 s1, s0  }
0xbc: {  	s0 =	sadd.s32 $0x8F2B, s0  }
0xbd: {  	[sflag:s0] =	ssyncadd.remote.s32 $0x1  }
0xbe: {  	_ =	sfence.sel $0xFFFF  }
0xbf: {  	[dreg:$0x0] =	wrdreg $0xFFFFFFFF;
	(pc) =	sbr.abs _section_cstart, $3  }
0xc0: {  	[dreg:$0x1] =	wrdreg $0xFFFFFFFF  }
0xc1: {  	_ =	task.clear_ibuf [dreg:s7], $0x2FFFF;
	_ =	strace $0x9FFFFFFF  }
0xc2: {  	(tm) =	ssettm $0x7FFFFFFF  }
0xc3: {  	_ =	shalt  }
tec
execute0_lowered:
.L_overlay_start_1:
0x0: {  	(tag) =	ssettag $0x1  }
0x1: {  	s1 =	srdreg.scid;
	s0 =	stileid.u32  }
0x2: {  	s4 =	sand.u32 $0x1, s1;
	s30 =	sshll.u32 s0, $0x1  }
0x3: {  	s5 =	sor.u32 s4, s30  }
0x4: {  	v0 =	vlaneseq.u32;
	s1 =	sshll.u32 s5, $0xA  }
0x5: {  	v0 =	vmul.u32 $0x400, v0;
	v1 =	vmov s1  }
0x6: {  	v1 =	vshll.u32 v1, $0xA  }
0x7: {  	v0 =	vor.u32 v0, v1  }
0x8: {  	v1 =	vor.u32 $0x4000, v0;
	v7 =	vor.u32 $0x1C000, v0;
	v8 =	vor.u32 $0x20000, v0  }
0x9: {  	v9 =	vor.u32 $0x24000, v0;
	v10 =	vor.u32 $0x28000, v0;
	v11 =	vor.u32 $0x2C000, v0  }
0xa: {  	v12 =	vor.u32 $0x30000, v0;
	v13 =	vor.u32 $0x34000, v0;
	v14 =	vor.u32 $0x38000, v0  }
0xb: {  	v15 =	vor.u32 $0x3C000, v0;
	v16 =	vor.u32 $0x40000, v0;
	v17 =	vor.u32 $0x44000, v0  }
0xc: {  	v18 =	vor.u32 $0x48000, v0;
	v19 =	vor.u32 $0x4C000, v0;
	v20 =	vor.u32 $0x50000, v0  }
0xd: {  	v21 =	vor.u32 $0x54000, v0;
	v22 =	vor.u32 $0x58000, v0;
	v23 =	vor.u32 $0x5C000, v0  }
0xe: {  	v24 =	vor.u32 $0x60000, v0;
	v25 =	vor.u32 $0x64000, v0;
	v26 =	vor.u32 $0x68000, v0  }
0xf: {  	v27 =	vor.u32 $0x6C000, v0;
	v28 =	vor.u32 $0x70000, v0;
	v29 =	vor.u32 $0x74000, v0  }
0x10: {  	s6 =	rddreg [dreg:$0x0];
	v30 =	vor.u32 $0x78000, v0;
	v31 =	vor.u32 $0x7C000, v0;
	v32 =	vor.u32 $0x80000, v0  }
0x11: {  	s7 =	rddreg [dreg:$0x1];
	s9 =	simm.s32 $0x400;
	v33 =	vor.u32 $0x84000, v0;
	v34 =	vor.u32 $0x88000, v0;
	v35 =	vor.u32 $0x8C000, v0  }
0x12: {  	s10 =	simm.s32 $0x800;
	s11 =	simm.s32 $0x480;
	s12 =	simm.s32 $0x880;
	v36 =	vor.u32 $0x90000, v0;
	v37 =	vor.u32 $0x94000, v0;
	v38 =	vor.u32 $0x98000, v0  }
0x13: {  	s13 =	simm.s32 $0x500;
	s14 =	simm.s32 $0x900;
	s15 =	simm.s32 $0x580;
	v39 =	vor.u32 $0x9C000, v0;
	v40 =	vor.u32 $0xA0000, v0;
	v41 =	vor.u32 $0xA4000, v0  }
0x14: {  	s16 =	simm.s32 $0x980;
	s17 =	simm.s32 $0x600;
	s18 =	simm.s32 $0xA00;
	v42 =	vor.u32 $0xA8000, v0;
	v43 =	vor.u32 $0xAC000, v0;
	v44 =	vor.u32 $0xB0000, v0  }
0x15: {  	s19 =	simm.s32 $0x680;
	s20 =	simm.s32 $0xA80;
	s21 =	simm.s32 $0x700;
	v45 =	vor.u32 $0xB4000, v0;
	v46 =	vor.u32 $0xB8000, v0;
	v47 =	vor.u32 $0xBC000, v0  }
0x16: {  	s2 =	simm.s32 $0x0;
	s22 =	simm.s32 $0xB00;
	s23 =	simm.s32 $0x780;
	v48 =	vor.u32 $0xC0000, v0;
	v49 =	vor.u32 $0xC4000, v0;
	[tilespmem:$0x1FFA0] =	vst v1;
	v1 =	vor.u32 $0x8000, v0  }
0x17: {  	s24 =	simm.s32 $0xB80;
	s25 =	simm.s32 $0x1;
	s26 =	simm.s32 $0xC00;
	v50 =	vor.u32 $0xC8000, v0;
	v51 =	vor.u32 $0xCC000, v0;
	[tilespmem:$0x1FFB0] =	vst v1;
	v1 =	vor.u32 $0xC000, v0  }
0x18: {  	[smem:$0x7FF] =	sst s2;
	s3 =	sadd.s32 $0x600, s6;
	s4 =	ssub.s32 $0x2, s4;
	v52 =	vor.u32 $0xD0000, v0;
	v53 =	vor.u32 $0xD4000, v0;
	[tilespmem:$0x1FFC0] =	vst v1;
	v1 =	vor.u32 $0x10000, v0  }
0x19: {  	s8 =	sshll.u32 s5, $0x4;
	s31 =	sshrl.u32 s4, $0x1;
	s5 =	sshll.u32 s5, $0x7;
	v54 =	vor.u32 $0xD8000, v0;
	v55 =	vor.u32 $0xDC000, v0;
	[tilespmem:$0x1FFD0] =	vst v1;
	v1 =	vor.u32 $0x14000, v0  }
0x1a: {  	s1 =	rddreg [dreg:$0x2];
	s6 =	sadd.s32 s8, s6;
	s8 =	ssub.s32 s4, s31;
	v56 =	vor.u32 $0xE0000, v0;
	v57 =	vor.u32 $0xE4000, v0;
	[tilespmem:$0x1FFE0] =	vst v1;
	v1 =	vor.u32 $0x18000, v0  }
0x1b: {  	s4 =	sadd.s32 s7, s5;
	s7 =	simm.s32 $0x2;
	s5 =	sadd.s32 $0x400600, s6;
	v58 =	vor.u32 $0xE8000, v0;
	v59 =	vor.u32 $0xEC000, v0;
	v60 =	vor.u32 $0xF0000, v0;
	[tilespmem:$0x1FFF0] =	vst v1  }
0x1c: {  	s6 =	smax.u32 s8, $0x1;
	s8 =	simm.s32 $0x80;
	v61 =	vor.u32 $0xF4000, v0;
	v62 =	vor.u32 $0xF8000, v0;
	v63 =	vor.u32 $0xFC000, v0;
	_ =	strace $0x8000004A  }
.LBB2_1:
0x1d: {  	[tilespmem:s2], [sflag:$0x2] =	stream.linear.gather [hbm4b:s4+s2], $0x400, $0x38;
	[tilespmem:$0xC80] =	vst v63  }
0x1e: {  	_ =	swait.ge [sflag:s7], $0x400  }
0x1f: {  	[sflag:s7] =	ssyncset.done $0x0  }
0x20: {  	[sflag:s7] =	ssyncadd.s32 $0xFFFFFC00  }
0x21: {  	v1 =	vld [tilespmem:$0x0];
	_ =	sdelay $0x4  }
0x22: {  	v2 =	vld [tilespmem:$0x10];
	v1 =	vadd.s32 v0, v1  }
0x23: {  	[tilespmem:$0x400] =	vst v1;
	v1 =	vld [tilespmem:$0x1FFA0];
	_ =	sdelay $0x4  }
0x24: {  	v3 =	vld [tilespmem:$0x20];
	v1 =	vadd.s32 v2, v1  }
0x25: {  	[tilespmem:$0x410] =	vst v1;
	v1 =	vld [tilespmem:$0x1FFB0];
	_ =	sdelay $0x4  }
0x26: {  	v4 =	vld [tilespmem:$0x30];
	v1 =	vadd.s32 v3, v1  }
0x27: {  	[tilespmem:$0x420] =	vst v1;
	v1 =	vld [tilespmem:$0x1FFC0];
	_ =	sdelay $0x4  }
0x28: {  	v5 =	vld [tilespmem:$0x40];
	v1 =	vadd.s32 v4, v1  }
0x29: {  	[tilespmem:$0x430] =	vst v1;
	v1 =	vld [tilespmem:$0x1FFD0];
	_ =	sdelay $0x4  }
0x2a: {  	v6 =	vld [tilespmem:$0x50];
	v1 =	vadd.s32 v5, v1  }
0x2b: {  	[tilespmem:$0x440] =	vst v1;
	v1 =	vld [tilespmem:$0x1FFE0];
	_ =	sdelay $0x4  }
0x2c: {  	v2 =	vld [tilespmem:$0x60];
	v1 =	vadd.s32 v6, v1  }
0x2d: {  	[tilespmem:$0x450] =	vst v1;
	v1 =	vld [tilespmem:$0x1FFF0]  }
0x2e: {  	v3 =	vld [tilespmem:$0x70]  }
0x2f: {  	v4 =	vld [tilespmem:$0x80]  }
0x30: {  	v5 =	vld [tilespmem:$0x90]  }
0x31: {  	v6 =	vld [tilespmem:$0xA0]  }
0x32: {  	v1 =	vadd.s32 v2, v1;
	v2 =	vld [tilespmem:$0xB0]  }
0x33: {  	[tilespmem:$0x460] =	vst v1;
	v1 =	vadd.s32 v3, v7;
	v3 =	vld [tilespmem:$0xC0]  }
0x34: {  	[tilespmem:$0x470] =	vst v1;
	v1 =	vadd.s32 v4, v8;
	v4 =	vld [tilespmem:$0xD0]  }
0x35: {  	[tilespmem:$0x480] =	vst v1;
	v1 =	vadd.s32 v5, v9;
	v5 =	vld [tilespmem:$0xE0]  }
0x36: {  	[tilespmem:$0x490] =	vst v1;
	v1 =	vadd.s32 v6, v10;
	v6 =	vld [tilespmem:$0xF0]  }
0x37: {  	[tilespmem:$0x4A0] =	vst v1;
	v1 =	vadd.s32 v2, v11;
	v2 =	vld [tilespmem:$0x100]  }
0x38: {  	[tilespmem:$0x4B0] =	vst v1;
	v1 =	vadd.s32 v3, v12;
	v3 =	vld [tilespmem:$0x110]  }
0x39: {  	[tilespmem:$0x4C0] =	vst v1;
	v1 =	vadd.s32 v4, v13;
	v4 =	vld [tilespmem:$0x120]  }
0x3a: {  	[tilespmem:$0x4D0] =	vst v1;
	v1 =	vadd.s32 v5, v14;
	v5 =	vld [tilespmem:$0x130]  }
0x3b: {  	[tilespmem:$0x4E0] =	vst v1;
	v1 =	vadd.s32 v6, v15;
	v6 =	vld [tilespmem:$0x140]  }
0x3c: {  	[tilespmem:$0x4F0] =	vst v1;
	v1 =	vadd.s32 v2, v16;
	v2 =	vld [tilespmem:$0x150]  }
0x3d: {  	[tilespmem:$0x500] =	vst v1;
	v1 =	vadd.s32 v3, v17;
	v3 =	vld [tilespmem:$0x160]  }
0x3e: {  	[tilespmem:$0x510] =	vst v1;
	v1 =	vadd.s32 v4, v18;
	v4 =	vld [tilespmem:$0x170]  }
0x3f: {  	[tilespmem:$0x520] =	vst v1;
	v1 =	vadd.s32 v5, v19;
	v5 =	vld [tilespmem:$0x180]  }
0x40: {  	[tilespmem:$0x530] =	vst v1;
	v1 =	vadd.s32 v6, v20;
	v6 =	vld [tilespmem:$0x190]  }
0x41: {  	[tilespmem:$0x540] =	vst v1;
	v1 =	vadd.s32 v2, v21;
	v2 =	vld [tilespmem:$0x1A0]  }
0x42: {  	[tilespmem:$0x550] =	vst v1;
	v1 =	vadd.s32 v3, v22;
	v3 =	vld [tilespmem:$0x1B0]  }
0x43: {  	[tilespmem:$0x560] =	vst v1;
	v1 =	vadd.s32 v4, v23;
	v4 =	vld [tilespmem:$0x1C0]  }
0x44: {  	[tilespmem:$0x570] =	vst v1;
	v1 =	vadd.s32 v5, v24;
	v5 =	vld [tilespmem:$0x1D0]  }
0x45: {  	[tilespmem:$0x580] =	vst v1;
	v1 =	vadd.s32 v6, v25;
	v6 =	vld [tilespmem:$0x1E0]  }
0x46: {  	[tilespmem:$0x590] =	vst v1;
	v1 =	vadd.s32 v2, v26;
	v2 =	vld [tilespmem:$0x1F0]  }
0x47: {  	[tilespmem:$0x5A0] =	vst v1;
	v1 =	vadd.s32 v3, v27;
	v3 =	vld [tilespmem:$0x200]  }
0x48: {  	[tilespmem:$0x5B0] =	vst v1;
	v1 =	vadd.s32 v4, v28;
	v4 =	vld [tilespmem:$0x210]  }
0x49: {  	[tilespmem:$0x5C0] =	vst v1;
	v1 =	vadd.s32 v5, v29;
	v5 =	vld [tilespmem:$0x220]  }
0x4a: {  	[tilespmem:$0x5D0] =	vst v1;
	v1 =	vadd.s32 v6, v30;
	v6 =	vld [tilespmem:$0x230]  }
0x4b: {  	[tilespmem:$0x5E0] =	vst v1;
	v1 =	vadd.s32 v2, v31;
	v2 =	vld [tilespmem:$0x240]  }
0x4c: {  	[tilespmem:$0x5F0] =	vst v1;
	v1 =	vadd.s32 v3, v32;
	v3 =	vld [tilespmem:$0x250]  }
0x4d: {  	[tilespmem:$0x600] =	vst v1;
	v1 =	vadd.s32 v4, v33;
	v4 =	vld [tilespmem:$0x260]  }
0x4e: {  	[tilespmem:$0x610] =	vst v1;
	v1 =	vadd.s32 v5, v34;
	v5 =	vld [tilespmem:$0x270]  }
0x4f: {  	[tilespmem:$0x620] =	vst v1;
	v1 =	vadd.s32 v6, v35;
	v6 =	vld [tilespmem:$0x280]  }
0x50: {  	[tilespmem:$0x630] =	vst v1;
	v1 =	vadd.s32 v2, v36;
	v2 =	vld [tilespmem:$0x290]  }
0x51: {  	[tilespmem:$0x640] =	vst v1;
	v1 =	vadd.s32 v3, v37;
	v3 =	vld [tilespmem:$0x2A0]  }
0x52: {  	[tilespmem:$0x650] =	vst v1;
	v1 =	vadd.s32 v4, v38;
	v4 =	vld [tilespmem:$0x2B0]  }
0x53: {  	[tilespmem:$0x660] =	vst v1;
	v1 =	vadd.s32 v5, v39;
	v5 =	vld [tilespmem:$0x2C0]  }
0x54: {  	[tilespmem:$0x670] =	vst v1;
	v1 =	vadd.s32 v6, v40;
	v6 =	vld [tilespmem:$0x2D0]  }
0x55: {  	[tilespmem:$0x680] =	vst v1;
	v1 =	vadd.s32 v2, v41;
	v2 =	vld [tilespmem:$0x2E0]  }
0x56: {  	[tilespmem:$0x690] =	vst v1;
	v1 =	vadd.s32 v3, v42;
	v3 =	vld [tilespmem:$0x2F0]  }
0x57: {  	[tilespmem:$0x6A0] =	vst v1;
	v1 =	vadd.s32 v4, v43;
	v4 =	vld [tilespmem:$0x300]  }
0x58: {  	[tilespmem:$0x6B0] =	vst v1;
	v1 =	vadd.s32 v5, v44;
	v5 =	vld [tilespmem:$0x310]  }
0x59: {  	[tilespmem:$0x6C0] =	vst v1;
	v1 =	vadd.s32 v6, v45;
	v6 =	vld [tilespmem:$0x320]  }
0x5a: {  	[tilespmem:$0x6D0] =	vst v1;
	v1 =	vadd.s32 v2, v46;
	v2 =	vld [tilespmem:$0x330]  }
0x5b: {  	[tilespmem:$0x6E0] =	vst v1;
	v1 =	vadd.s32 v3, v47;
	v3 =	vld [tilespmem:$0x340]  }
0x5c: {  	[tilespmem:$0x6F0] =	vst v1;
	v1 =	vadd.s32 v4, v48;
	v4 =	vld [tilespmem:$0x350]  }
0x5d: {  	[tilespmem:$0x700] =	vst v1;
	v1 =	vadd.s32 v5, v49;
	v5 =	vld [tilespmem:$0x360]  }
0x5e: {  	[tilespmem:$0x710] =	vst v1;
	v1 =	vadd.s32 v6, v50;
	v6 =	vld [tilespmem:$0x370]  }
0x5f: {  	[tilespmem:$0x720] =	vst v1;
	v1 =	vadd.s32 v2, v51;
	v2 =	vld [tilespmem:$0x380]  }
0x60: {  	[tilespmem:$0x730] =	vst v1;
	v1 =	vadd.s32 v3, v52;
	v3 =	vld [tilespmem:$0x390]  }
0x61: {  	[tilespmem:$0x740] =	vst v1;
	v1 =	vadd.s32 v4, v53;
	v4 =	vld [tilespmem:$0x3A0]  }
0x62: {  	[tilespmem:$0x750] =	vst v1;
	v1 =	vadd.s32 v5, v54;
	v5 =	vld [tilespmem:$0x3B0]  }
0x63: {  	[tilespmem:$0x760] =	vst v1;
	v1 =	vadd.s32 v6, v55;
	v6 =	vld [tilespmem:$0x3C0]  }
0x64: {  	[tilespmem:$0x770] =	vst v1;
	v1 =	vadd.s32 v2, v56;
	v2 =	vld [tilespmem:$0x3D0]  }
0x65: {  	[tilespmem:$0x780] =	vst v1;
	v1 =	vadd.s32 v3, v57;
	v3 =	vld [tilespmem:$0x3E0]  }
0x66: {  	[tilespmem:$0x790] =	vst v1;
	v1 =	vadd.s32 v4, v58;
	v4 =	vld [tilespmem:$0x3F0]  }
0x67: {  	[tilespmem:$0x7A0] =	vst v1;
	v1 =	vadd.s32 v5, v59  }
0x68: {  	[tilespmem:$0x7B0] =	vst v1;
	v1 =	vadd.s32 v6, v60  }
0x69: {  	[tilespmem:$0x7C0] =	vst v1;
	v1 =	vadd.s32 v2, v61  }
0x6a: {  	[tilespmem:$0x7D0] =	vst v1;
	v1 =	vadd.s32 v3, v62  }
0x6b: {  	[tilespmem:$0x7E0] =	vst v1;
	v1 =	vadd.s32 v4, v63  }
0x6c: {  	[tilespmem:$0x7F0] =	vst v1  }
0x6d: {  	[tilespmem:s10], [sflag:$0x1] =	stream.indirect.gather [hbm4b:s3+s8], $0x1, s9, s8, $0xb8;
	[tilespmem:$0xC80] =	vst v63  }
0x6e: {  	_ = 	snop  }
0x6f: {  	[tilespmem:s12], [sflag:$0x1] =	stream.indirect.gather [hbm4b:s3+s8], $0x1, s11, s8, $0xb8;
	[tilespmem:$0xC80] =	vst v63  }
0x70: {  	_ = 	snop  }
0x71: {  	[tilespmem:s14], [sflag:$0x1] =	stream.indirect.gather [hbm4b:s3+s8], $0x1, s13, s8, $0xb8;
	[tilespmem:$0xC80] =	vst v63  }
0x72: {  	_ = 	snop  }
0x73: {  	[tilespmem:s16], [sflag:$0x1] =	stream.indirect.gather [hbm4b:s3+s8], $0x1, s15, s8, $0xb8;
	[tilespmem:$0xC80] =	vst v63  }
0x74: {  	_ = 	snop  }
0x75: {  	[tilespmem:s18], [sflag:$0x1] =	stream.indirect.gather [hbm4b:s3+s8], $0x1, s17, s8, $0xb8;
	[tilespmem:$0xC80] =	vst v63  }
0x76: {  	_ = 	snop  }
0x77: {  	[tilespmem:s20], [sflag:$0x1] =	stream.indirect.gather [hbm4b:s3+s8], $0x1, s19, s8, $0xb8;
	[tilespmem:$0xC80] =	vst v63  }
0x78: {  	_ = 	snop  }
0x79: {  	[tilespmem:s22], [sflag:$0x1] =	stream.indirect.gather [hbm4b:s3+s8], $0x1, s21, s8, $0xb8;
	[tilespmem:$0xC80] =	vst v63  }
0x7a: {  	_ = 	snop  }
0x7b: {  	[tilespmem:s24], [sflag:$0x1] =	stream.indirect.gather [hbm4b:s3+s8], $0x1, s23, s8, $0xb8;
	[tilespmem:$0xC80] =	vst v63  }
0x7c: {  	_ =	swait.ge [sflag:s25], $0x80  }
0x7d: {  	[sflag:s25] =	ssyncset.done $0x0  }
0x7e: {  	[sflag:s25] =	ssyncadd.s32 $0xFFFFFF80  }
0x7f: {  	_ =	swait.ge [sflag:s25], $0x80  }
0x80: {  	[sflag:s25] =	ssyncset.done $0x0  }
0x81: {  	[sflag:s25] =	ssyncadd.s32 $0xFFFFFF80  }
0x82: {  	_ =	swait.ge [sflag:s25], $0x80  }
0x83: {  	[sflag:s25] =	ssyncset.done $0x0  }
0x84: {  	[sflag:s25] =	ssyncadd.s32 $0xFFFFFF80  }
0x85: {  	_ =	swait.ge [sflag:s25], $0x80  }
0x86: {  	[sflag:s25] =	ssyncset.done $0x0  }
0x87: {  	[sflag:s25] =	ssyncadd.s32 $0xFFFFFF80  }
0x88: {  	_ =	swait.ge [sflag:s25], $0x80  }
0x89: {  	[sflag:s25] =	ssyncset.done $0x0  }
0x8a: {  	[sflag:s25] =	ssyncadd.s32 $0xFFFFFF80  }
0x8b: {  	_ =	swait.ge [sflag:s25], $0x80  }
0x8c: {  	[sflag:s25] =	ssyncset.done $0x0  }
0x8d: {  	[sflag:s25] =	ssyncadd.s32 $0xFFFFFF80  }
0x8e: {  	_ =	swait.ge [sflag:s25], $0x80  }
0x8f: {  	[sflag:s25] =	ssyncset.done $0x0  }
0x90: {  	[sflag:s25] =	ssyncadd.s32 $0xFFFFFF80  }
0x91: {  	_ =	swait.ge [sflag:s25], $0x80  }
0x92: {  	[sflag:s25] =	ssyncset.done $0x0  }
0x93: {  	[sflag:s25] =	ssyncadd.s32 $0xFFFFFF80  }
0x94: {  	v1 =	vld [tilespmem:$0x800];
	_ =	sdelay $0x1  }
0x95: {  	v2 =	vld [tilespmem:$0x810];
	_ =	sdelay $0x1  }
0x96: {  	v3 =	vld [tilespmem:$0x820]  }
0x97: {  	v1 =	vadd.f32 $0.0e+00, v1  }
0x98: {  	v4 =	vld [tilespmem:$0x830]  }
0x99: {  	v1 =	vadd.f32 v2, v1  }
0x9a: {  	v2 =	vld [tilespmem:$0x840]  }
0x9b: {  	v1 =	vadd.f32 v3, v1  }
0x9c: {  	v3 =	vld [tilespmem:$0x850]  }
0x9d: {  	v1 =	vadd.f32 v4, v1  }
0x9e: {  	v4 =	vld [tilespmem:$0x860]  }
0x9f: {  	v1 =	vadd.f32 v2, v1  }
0xa0: {  	v2 =	vld [tilespmem:$0x870]  }
0xa1: {  	v1 =	vadd.f32 v3, v1  }
0xa2: {  	v3 =	vld [tilespmem:$0x880]  }
0xa3: {  	v1 =	vadd.f32 v4, v1  }
0xa4: {  	v4 =	vld [tilespmem:$0x890]  }
0xa5: {  	v1 =	vadd.f32 v2, v1  }
0xa6: {  	v2 =	vld [tilespmem:$0x8A0]  }
0xa7: {  	v1 =	vadd.f32 v3, v1  }
0xa8: {  	v3 =	vld [tilespmem:$0x8B0]  }
0xa9: {  	v1 =	vadd.f32 v4, v1  }
0xaa: {  	v4 =	vld [tilespmem:$0x8C0]  }
0xab: {  	v1 =	vadd.f32 v2, v1  }
0xac: {  	v2 =	vld [tilespmem:$0x8D0]  }
0xad: {  	v1 =	vadd.f32 v3, v1  }
0xae: {  	v3 =	vld [tilespmem:$0x8E0]  }
0xaf: {  	v1 =	vadd.f32 v4, v1  }
0xb0: {  	v4 =	vld [tilespmem:$0x8F0]  }
0xb1: {  	v1 =	vadd.f32 v2, v1  }
0xb2: {  	v2 =	vld [tilespmem:$0x900]  }
0xb3: {  	v1 =	vadd.f32 v3, v1  }
0xb4: {  	v3 =	vld [tilespmem:$0x910]  }
0xb5: {  	v1 =	vadd.f32 v4, v1  }
0xb6: {  	v4 =	vld [tilespmem:$0x920]  }
0xb7: {  	v1 =	vadd.f32 v2, v1  }
0xb8: {  	v2 =	vld [tilespmem:$0x930]  }
0xb9: {  	v1 =	vadd.f32 v3, v1  }
0xba: {  	v3 =	vld [tilespmem:$0x940]  }
0xbb: {  	v1 =	vadd.f32 v4, v1  }
0xbc: {  	v4 =	vld [tilespmem:$0x950]  }
0xbd: {  	v1 =	vadd.f32 v2, v1  }
0xbe: {  	v2 =	vld [tilespmem:$0x960]  }
0xbf: {  	v1 =	vadd.f32 v3, v1  }
0xc0: {  	v3 =	vld [tilespmem:$0x970]  }
0xc1: {  	v1 =	vadd.f32 v4, v1  }
0xc2: {  	v4 =	vld [tilespmem:$0x980]  }
0xc3: {  	v1 =	vadd.f32 v2, v1  }
0xc4: {  	v2 =	vld [tilespmem:$0x990]  }
0xc5: {  	v1 =	vadd.f32 v3, v1  }
0xc6: {  	v3 =	vld [tilespmem:$0x9A0]  }
0xc7: {  	v1 =	vadd.f32 v4, v1  }
0xc8: {  	v4 =	vld [tilespmem:$0x9B0]  }
0xc9: {  	v1 =	vadd.f32 v2, v1  }
0xca: {  	v2 =	vld [tilespmem:$0x9C0]  }
0xcb: {  	v1 =	vadd.f32 v3, v1  }
0xcc: {  	v3 =	vld [tilespmem:$0x9D0]  }
0xcd: {  	v1 =	vadd.f32 v4, v1  }
0xce: {  	v4 =	vld [tilespmem:$0x9E0]  }
0xcf: {  	v1 =	vadd.f32 v2, v1  }
0xd0: {  	v2 =	vld [tilespmem:$0x9F0]  }
0xd1: {  	v1 =	vadd.f32 v3, v1  }
0xd2: {  	v3 =	vld [tilespmem:$0xA00]  }
0xd3: {  	v1 =	vadd.f32 v4, v1  }
0xd4: {  	v4 =	vld [tilespmem:$0xA10]  }
0xd5: {  	v1 =	vadd.f32 v2, v1  }
0xd6: {  	v2 =	vld [tilespmem:$0xA20]  }
0xd7: {  	v1 =	vadd.f32 v3, v1  }
0xd8: {  	v3 =	vld [tilespmem:$0xA30]  }
0xd9: {  	v1 =	vadd.f32 v4, v1  }
0xda: {  	v4 =	vld [tilespmem:$0xA40]  }
0xdb: {  	v1 =	vadd.f32 v2, v1  }
0xdc: {  	v2 =	vld [tilespmem:$0xA50]  }
0xdd: {  	v1 =	vadd.f32 v3, v1  }
0xde: {  	v3 =	vld [tilespmem:$0xA60]  }
0xdf: {  	v1 =	vadd.f32 v4, v1  }
0xe0: {  	v4 =	vld [tilespmem:$0xA70]  }
0xe1: {  	v1 =	vadd.f32 v2, v1  }
0xe2: {  	v2 =	vld [tilespmem:$0xA80]  }
0xe3: {  	v1 =	vadd.f32 v3, v1  }
0xe4: {  	v3 =	vld [tilespmem:$0xA90]  }
0xe5: {  	v1 =	vadd.f32 v4, v1  }
0xe6: {  	v4 =	vld [tilespmem:$0xAA0]  }
0xe7: {  	v1 =	vadd.f32 v2, v1  }
0xe8: {  	v2 =	vld [tilespmem:$0xAB0]  }
0xe9: {  	v1 =	vadd.f32 v3, v1  }
0xea: {  	v3 =	vld [tilespmem:$0xAC0]  }
0xeb: {  	v1 =	vadd.f32 v4, v1  }
0xec: {  	v4 =	vld [tilespmem:$0xAD0]  }
0xed: {  	v1 =	vadd.f32 v2, v1  }
0xee: {  	v2 =	vld [tilespmem:$0xAE0]  }
0xef: {  	v1 =	vadd.f32 v3, v1  }
0xf0: {  	v3 =	vld [tilespmem:$0xAF0]  }
0xf1: {  	v1 =	vadd.f32 v4, v1  }
0xf2: {  	v4 =	vld [tilespmem:$0xB00]  }
0xf3: {  	v1 =	vadd.f32 v2, v1  }
0xf4: {  	v2 =	vld [tilespmem:$0xB10]  }
0xf5: {  	v1 =	vadd.f32 v3, v1  }
0xf6: {  	v3 =	vld [tilespmem:$0xB20]  }
0xf7: {  	v1 =	vadd.f32 v4, v1  }
0xf8: {  	v4 =	vld [tilespmem:$0xB30]  }
0xf9: {  	v1 =	vadd.f32 v2, v1  }
0xfa: {  	v2 =	vld [tilespmem:$0xB40]  }
0xfb: {  	v1 =	vadd.f32 v3, v1  }
0xfc: {  	v3 =	vld [tilespmem:$0xB50]  }
0xfd: {  	v1 =	vadd.f32 v4, v1  }
0xfe: {  	v4 =	vld [tilespmem:$0xB60]  }
0xff: {  	v1 =	vadd.f32 v2, v1  }
0x100: {  	v2 =	vld [tilespmem:$0xB70]  }
0x101: {  	v1 =	vadd.f32 v3, v1  }
0x102: {  	v3 =	vld [tilespmem:$0xB80]  }
0x103: {  	v1 =	vadd.f32 v4, v1  }
0x104: {  	v4 =	vld [tilespmem:$0xB90]  }
0x105: {  	v1 =	vadd.f32 v2, v1  }
0x106: {  	v2 =	vld [tilespmem:$0xBA0]  }
0x107: {  	v1 =	vadd.f32 v3, v1  }
0x108: {  	v3 =	vld [tilespmem:$0xBB0]  }
0x109: {  	v1 =	vadd.f32 v4, v1  }
0x10a: {  	v4 =	vld [tilespmem:$0xBC0]  }
0x10b: {  	v1 =	vadd.f32 v2, v1  }
0x10c: {  	v2 =	vld [tilespmem:$0xBD0]  }
0x10d: {  	v1 =	vadd.f32 v3, v1  }
0x10e: {  	v3 =	vld [tilespmem:$0xBE0]  }
0x10f: {  	v1 =	vadd.f32 v4, v1  }
0x110: {  	v4 =	vld [tilespmem:$0xBF0]  }
0x111: {  	v1 =	vadd.f32 v2, v1;
	_ =	sdelay $0x1  }
0x112: {  	v1 =	vadd.f32 v3, v1;
	_ =	sdelay $0x1  }
0x113: {  	v1 =	vadd.f32 v4, v1  }
0x114: {  	p0 =	sne.s32 s6, $0x1  }
.Ltmp0:
0x115: {  	[tilespmem:$0xC00] =	vst v1;
	(pc) =	sbr.rel @p0 .LBB2_1-.Ltmp0, $4  }
0x116: {  	[hbm4b:s5+s2] =	stream.linear.scatter [tilespmem:s26], [sflag:$0x2], $0x80, $0x38;
	[tilespmem:$0xC80] =	vst v63  }
0x117: {  	_ =	swait.ge [sflag:s7], $0x80  }
0x118: {  	[sflag:s7] =	ssyncset.done $0x0  }
0x119: {  	s6 =	sadd.s32 $0xFFFFFFFF, s6;
	[sflag:s7] =	ssyncadd.s32 $0xFFFFFF80  }
0x11a: {  	_ =	sfence.sel $0x180000  }
0x11b: {  	[bflag:$0x0] =	sbarrier.arrive $0xFFFF  }
0x11c: {  	p0 =	sne.s32 s0, $0x0;
	_ =	strace $0x9000004A  }
0x11d: {  	s0 =	sadd.s32 @!p0 $0x100000, s1;
	[bflag:$0x2] =	sbarrier.arrive $0xFFFF  }
0x11e: {  	[sflag:s0] =	ssyncadd.tile.s32 @!p0 $0x1;
	_ =	shalt  }
.Lfunc_end2:
_tile_overlayer_lowered:
.L_overlay_start_2:
0x11f: {  	(tag) =	ssettag $0x2  }
0x120: {  	s0 =	rddreg [dreg:$0x0];
	s2 =	stileid.u32  }
0x121: {  	s1 =	rddreg [dreg:$0x1];
	p0 =	sne.s32 s2, $0x0  }
0x122: {  	s3 =	rddreg [dreg:$0x2];
	[bflag:$0x3] =	sbarrier.arrive $0xFFFF;
	s2 =	simm.s32 @!p0 $0x1C02  }
0x123: {  	[timem:s3], [sflag:s2] =	dma.local @!p0 [hbm:s0], s1  }
0x124: {  	s0 =	simm.s32 @!p0 $0x2  }
0x125: {  	_ =	swait.ge @!p0 [sflag:s0], s1  }
0x126: {  	s1 =	ssub.s32 @!p0 $0x0, s1;
	[sflag:s0] =	ssyncset.done @!p0 $0x0  }
0x127: {  	[sflag:s0] =	ssyncadd.s32 @!p0 s1  }
0x128: {  	[bflag:$0x3] =	sbarrier.arrive $0xFFFF  }
0x129: {  	_ =	shalt  }

// kernel: sparse-core-data-format-call.cloned.1.call-start
scs
called_computation_lowered:
.L_overlay_start_0:
0x0: {  	s2 =	sld [smem:$0x3FD9]  }
0x1: {  	s3 =	sld [smem:$0x3FFE];
	_ =	sdelay $0x1  }
0x2: {  	s1 =	srdreg.scid  }
0x3: {  	s0 =	sand.u32 $0x1, s1  }
0x4: {  	s18 =	sshll.u32 s0, $0xA;
	s2 =	sadd.s32 s3, s2  }
0x5: {  	s2 =	sadd.s32 s2, s18  }
0x6: {  	[smem:$0x3FC6] =	sst s2  }
0x7: {  	_ = 	snop  }
0x8: {  	s2 =	sld [smem:$0x3FC9];
	(tm) =	ssettm $0x1  }
0x9: {  	s19 =	sld [smem:$0x3FFB];
	_ =	sdelay $0x3  }
0xa: {  	_ =	strace s19  }
0xb: {  	s3 =	sld [smem:$0x3FFC];
	_ =	sdelay $0x3  }
0xc: {  	_ =	strace s3  }
0xd: {  	s3 =	sld [smem:$0x3FFD];
	_ =	sdelay $0x3  }
0xe: {  	_ =	strace s3  }
0xf: {  	_ =	strace $0x8FFFFFFF  }
0x10: {  	s20 =	sld [smem:$0x3FDB];
	_ =	sdelay $0x1  }
0x11: {  	s4 =	simm.s32 $_scs_section_size  }
0x12: {  	s5 =	simm.s32 $_size__tile_overlayer_lowered;
	s6 =	simm.s32 $_tile_overlayer_lowered  }
0x13: {  	s23 =	simm.s32 $0x1BFF;
	s22 =	sshll.u32 s6, $0x1;
	s3 =	sadd.s32 s4, s20  }
0x14: {  	s7 =	simm.s32 $0x0;
	s21 =	sshll.u32 s5, $0x1;
	s5 =	sadd.s32 s22, s3  }
0x15: {  	[timem:s7], [sflag:s23] =	dma.local [hbm:s5], s21  }
0x16: {  	_ =	swait.ge [sflag:s23], s21  }
0x17: {  	s4 =	ssub.s32 $0x0, s21;
	[sflag:s23] =	ssyncset.done $0x0  }
0x18: {  	[sflag:s23] =	ssyncadd.s32 s4;
	_ =	sdelay $0x1  }
0x19: {  	s24 =	simm.s32 $0x1B8B  }
0x1a: {  	_ =	swait.ge [sflag:s24], $0x1  }
0x1b: {  	[sflag:s24] =	ssyncset.done $0x0  }
0x1c: {  	s26 =	simm.s32 $0x1B8E;
	s25 =	sld [smem:$0x3FFE];
	[sflag:s24] =	ssyncadd.s32 $0xFFFFFFFF  }
0x1d: {  	s27 =	simm.s32 $execute0_lowered;
	[smem:$0x3FD2] =	sst s26  }
0x1e: {  	s5 =	sshll.u32 s27, $0x1;
	_ =	strace $0x80000046;
	[dreg:$0x1] =	wrdreg $0xFFFFFFFF  }
0x1f: {  	s28 =	simm.s32 $_size_execute0_lowered;
	s3 =	sadd.s32 s3, s5;
	[dreg:$0x0] =	wrdreg $0x0  }
0x20: {  	s5 =	sshll.u32 s28, $0x1;
	[dreg:$0x2] =	wrdreg s3  }
0x21: {  	[dreg:$0x3] =	wrdreg s5  }
0x22: {  	[dreg:$0x4] =	wrdreg $0xC0  }
0x23: {  	_ =	task [dreg:s7], $0x5FFFF  }
0x24: {  	[dreg:$0x1] =	wrdreg $0xFFFFFFFF  }
0x25: {  	[dreg:$0x0] =	wrdreg $0x60  }
0x26: {  	[dreg:$0x2] =	wrdreg s2  }
0x27: {  	[dreg:$0x3] =	wrdreg s25  }
0x28: {  	[dreg:$0x4] =	wrdreg $0x9  }
0x29: {  	_ =	task.clear_ibuf [dreg:s7], $0x5FFFF;
	_ =	strace $0x90000046  }
0x2a: {  	s29 =	simm.s32 $0x9;
	_ =	strace $0x80000048  }
0x2b: {  	_ =	swait.ge [sflag:s29], $0x1  }
0x2c: {  	[sflag:s29] =	ssyncadd.s32 $0xFFFFFFFF  }
0x2d: {  	_ =	strace $0x90000048  }
0x2e: {  	_ =	sfence  }
0x2f: {  	s30 =	sld [smem:$0x0];
	_ =	sdelay $0x2  }
0x30: {  	s31 =	sshll.u32 s1, $0xD;
	s1 =	sshrl.u32 s1, $0x2  }
0x31: {  	s3 =	sand.u32 $0x4000, s31;
	s1 =	sadd.s32 s1, s30  }
0x32: {  	s0 =	sor.u32 s3, s0;
	s1 =	sshll.u32 s1, $0x11  }
0x33: {  	s0 =	sor.u32 s1, s0  }
0x34: {  	s0 =	sadd.s32 $0x8F2B, s0  }
0x35: {  	[sflag:s0] =	ssyncadd.remote.s32 $0x1  }
0x36: {  	_ =	sfence.sel $0xFFFF  }
0x37: {  	[dreg:$0x0] =	wrdreg $0xFFFFFFFF;
	(pc) =	sbr.abs _section_cstart, $3  }
0x38: {  	[dreg:$0x1] =	wrdreg $0xFFFFFFFF  }
0x39: {  	_ =	task.clear_ibuf [dreg:s7], $0x2FFFF;
	_ =	strace $0x9FFFFFFF  }
0x3a: {  	(tm) =	ssettm $0x7FFFFFFF  }
0x3b: {  	_ =	shalt  }
tec
execute0_lowered:
.L_overlay_start_1:
0x0: {  	(tag) =	ssettag $0x1  }
0x1: {  	s0 =	srdreg.scid  }
0x2: {  	s1 =	sshll.u32 s0, $0x4  }
0x3: {  	s2 =	rddreg [dreg:$0x0];
	s0 =	stileid.u32;
	s1 =	sand.u32 $0x10, s1  }
0x4: {  	s4 =	rddreg [dreg:$0x1];
	s7 =	simm.s32 $0x1;
	s1 =	sor.u32 s0, s1  }
0x5: {  	s8 =	simm.s32 $0x2;
	s9 =	simm.s32 $0x0;
	s3 =	sshll.u32 s1, $0x1  }
0x6: {  	s12 =	simm.s32 $0x0;
	s11 =	simm.s32 $0x0;
	s6 =	ssub.s32 $0x1000, s3  }
.Ltmp0:
0x7: {  	s4 =	sadd.s32 $0x600, s4;
	s5 =	sand.u32 $0x3E, s6;
	(pc) =	sbr.rel .LBB1_1-.Ltmp0, $4  }
0x8: {  	s1 =	rddreg [dreg:$0x2];
	_ =	strace $0x80000047;
	p0 =	sne.s32 s5, $0x0  }
0x9: {  	s6 =	sshrl.u32 s6, $0x6;
	s5 =	simm.s32 $0x1;
	s7 =	simm.s32 @!p0 $0x0  }
0xa: {  	s10 =	smov.u32 s3;
	[sflag:s5] =	ssyncpa.u1 $0x0;
	s6 =	sadd.s32 s7, s6  }
0xb: {  	[sflag:s8] =	ssyncpa.u1 $0x0;
	s8 =	simm.s32 $0x0;
	s7 =	sadd.s32 $0x1, s6  }
.LBB1_9:
0xc: {  	s14 =	sadd.s32 $0x40, s10  }
0xd: {  	p1 =	sgt.s32 s14, $0xFFF  }
0xe: {  	s14 =	smov.u32 @p1 s3;
	p1 =	sne.s32 s11, s7  }
.Ltmp1:
0xf: {  	p0 =	slt.u32 s11, $0x2;
	(pc) =	sbr.rel @!p1 .LBB1_10-.Ltmp1, $4  }
0x10: {  	s13 =	simm.s32 @!p0 $0x2  }
0x11: {  	s15 =	sadd.s32 $0x1, s11;
	_ =	swait.ge @!p0 [sflag:s13], $0x4000  }
0x12: {  	s12 =	smov.u32 s10;
	s9 =	sadd.s32 $0x4000, s9;
	[sflag:s13] =	ssyncset.done @!p0 $0x0  }
0x13: {  	s11 =	smov.u32 s15;
	s10 =	smov.u32 s14;
	[sflag:s13] =	ssyncadd.s32 @!p0 $0xFFFFC000  }
.LBB1_1:
0x14: {  	p0 =	sge.u32 s11, s6  }
0x15: {  	s13 =	sxor.u32 @!p0 $0xFFFFFFFF, s11  }
0x16: {  	s31 =	sadd.s32 $0xFFFFFFFF, s11;
	s14 =	sshll.u32 @!p0 s10, $0xA;
	s13 =	sshll.u32 @!p0 s13, $0xE  }
0x17: {  	s15 =	simm.s32 @!p0 $0x0;
	s14 =	sadd.s32 @!p0 s2, s14;
	s13 =	sand.u32 @!p0 $0x4000, s13  }
0x18: {  	[tilespmem:s13], [sflag:$0x1] =	stream.linear.gather @!p0 [hbm4b:s14+s15], $0x4000, $0x38;
	[tilespmem:$0x10000] =	vst v63  }
0x19: {  	p0 =	sge.u32 s31, s6  }
.Ltmp2:
0x1a: {  	_ = 	snop;
	(pc) =	sbr.rel @p0 .LBB1_9-.Ltmp2, $1  }
0x1b: {  	_ =	sdelay $0x3  }
0x1c: {  	s13 =	sshll.u32 s9, $0x2  }
0x1d: {  	_ =	swait.ge [sflag:s5], $0x4000;
	s14 =	sshll.u32 s11, $0xE;
	s16 =	simm.s32 $0x0  }
0x1e: {  	p1 =	por $0x1, $0x1;
	s13 =	sand.u32 $0x10000, s13;
	[sflag:s5] =	ssyncset.done $0x0  }
0x1f: {  	s14 =	sand.u32 $0x4000, s14;
	s15 =	sshrl.u32 s13, $0x2;
	[sflag:s5] =	ssyncadd.s32 $0xFFFFC000  }
0x20: {  	s13 =	sor.u32 $0x8000, s14;
	s14 =	sadd.s32 $0x8040, s15;
	s15 =	sadd.s32 $0x40, s15  }
.LBB1_3:
0x21: {  	s16 =	sshll.u32 s16, $0x2  }
0x22: {  	p0 =	por p1, p1;
	s17 =	sshra.s32 s16, $0x2  }
0x23: {  	s18 =	simm.s32 $0x0;
	s16 =	sadd.s32 s17, s14;
	s17 =	sadd.s32 s17, s15  }
.LBB1_4:
0x24: {  	v0 =	vmov s17;
	_ =	sdelay $0x3  }
0x25: {  	s20 =	simm.s32 $0x0  }
0x26: {  	v6 =	vld.idx.msk [tilespmem:v0+s20+$0x30 ss:$0x1], $0xffff  }
0x27: {  	v7 =	vld.idx.msk [tilespmem:v0+s20+$0xFFFFFFC0 ss:$0x1], $0xffff  }
0x28: {  	v5 =	vld.idx.msk [tilespmem:v0+s20+$0xFFFFFFD0 ss:$0x1], $0xffff  }
0x29: {  	v4 =	vld.idx.msk [tilespmem:v0+s20+$0xFFFFFFE0 ss:$0x1], $0xffff  }
0x2a: {  	v3 =	vld.idx.msk [tilespmem:v0+s20+$0xFFFFFFF0 ss:$0x1], $0xffff  }
0x2b: {  	v1 =	vld.idx.msk [tilespmem:v0+s20+$0x0 ss:$0x1], $0xffff  }
0x2c: {  	v2 =	vld.idx.msk [tilespmem:v0+s20+$0x10 ss:$0x1], $0xffff;
	[tilespmem:s16+$0x30] =	vst v6  }
0x2d: {  	s19 =	simm.s32 $0x80;
	s21 =	simm.s32 $0x400;
	[tilespmem:s16+$0xFFFFFFC0] =	vst v7;
	v6 =	vld.idx.msk [tilespmem:v0+s20+$0x20 ss:$0x1], $0xffff;
	s20 =	smov.u32 s16  }
.LBB1_5:
0x2e: {  	p1 =	sne.s32 s21, $0xE00;
	v7 =	vld.idx.msk [tilespmem:v0+s19+$0x30 ss:$0x1], $0xffff;
	[tilespmem:s20+$0xFFFFFFD0] =	vst v5  }
0x2f: {  	v8 =	vld.idx.msk [tilespmem:v0+s19+$0xFFFFFFC0 ss:$0x1], $0xffff;
	[tilespmem:s20+$0xFFFFFFE0] =	vst v4  }
0x30: {  	v5 =	vld.idx.msk [tilespmem:v0+s19+$0xFFFFFFD0 ss:$0x1], $0xffff;
	[tilespmem:s20+$0xFFFFFFF0] =	vst v3  }
.Ltmp3:
0x31: {  	v4 =	vld.idx.msk [tilespmem:v0+s19+$0xFFFFFFE0 ss:$0x1], $0xffff;
	[tilespmem:s20+$0x0] =	vst v1;
	(pc) =	sbr.rel @p1 .LBB1_5-.Ltmp3, $4  }
0x32: {  	v3 =	vld.idx.msk [tilespmem:v0+s19+$0xFFFFFFF0 ss:$0x1], $0xffff;
	[tilespmem:s20+$0x10] =	vst v2  }
0x33: {  	v1 =	vld.idx.msk [tilespmem:v0+s19+$0x0 ss:$0x1], $0xffff;
	[tilespmem:s20+$0x20] =	vst v6;
	s20 =	sadd.s32 $0x400, s20  }
0x34: {  	v2 =	vld.idx.msk [tilespmem:v0+s19+$0x10 ss:$0x1], $0xffff;
	[tilespmem:s20+$0x30] =	vst v7  }
0x35: {  	[tilespmem:s20+$0xFFFFFFC0] =	vst v8;
	v6 =	vld.idx.msk [tilespmem:v0+s19+$0x20 ss:$0x1], $0xffff;
	s19 =	sshra.s32 s21, $0x2;
	s21 =	sadd.s32 $0x200, s21  }
0x36: {  	_ =	sdelay $0x2  }
0x37: {  	[tilespmem:s20+$0xFFFFFFD0] =	vst v5  }
0x38: {  	v56 =	vld.idx.msk [tilespmem:v0+s19+$0x30 ss:$0x1], $0xffff;
	[tilespmem:s20+$0xFFFFFFE0] =	vst v4  }
0x39: {  	v57 =	vld.idx.msk [tilespmem:v0+s19+$0xFFFFFFC0 ss:$0x1], $0xffff;
	[tilespmem:s20+$0xFFFFFFF0] =	vst v3  }
0x3a: {  	v58 =	vld.idx.msk [tilespmem:v0+s19+$0xFFFFFFD0 ss:$0x1], $0xffff;
	[tilespmem:s20+$0x0] =	vst v1  }
0x3b: {  	v59 =	vld.idx.msk [tilespmem:v0+s19+$0xFFFFFFE0 ss:$0x1], $0xffff;
	[tilespmem:s20+$0x10] =	vst v2  }
0x3c: {  	v60 =	vld.idx.msk [tilespmem:v0+s19+$0xFFFFFFF0 ss:$0x1], $0xffff;
	s31 =	sadd.s32 $0x400, s20;
	[tilespmem:s20+$0x20] =	vst v6  }
0x3d: {  	v61 =	vld.idx.msk [tilespmem:v0+s19+$0x0 ss:$0x1], $0xffff;
	[tilespmem:s31+$0x30] =	vst v56  }
0x3e: {  	v62 =	vld.idx.msk [tilespmem:v0+s19+$0x10 ss:$0x1], $0xffff;
	s18 =	sadd.s32 $0x1, s18;
	[tilespmem:s31+$0xFFFFFFC0] =	vst v57  }
0x3f: {  	v63 =	vld.idx.msk [tilespmem:v0+s19+$0x20 ss:$0x1], $0xffff;
	p1 =	sne.s32 s18, $0x8;
	[tilespmem:s31+$0xFFFFFFD0] =	vst v58  }
.Ltmp4:
0x40: {  	[tilespmem:s31+$0xFFFFFFE0] =	vst v59;
	(pc) =	sbr.rel @p1 .LBB1_4-.Ltmp4, $4  }
0x41: {  	[tilespmem:s31+$0xFFFFFFF0] =	vst v60  }
0x42: {  	[tilespmem:s31+$0x0] =	vst v61  }
0x43: {  	[tilespmem:s31+$0x10] =	vst v62  }
0x44: {  	s16 =	sadd.s32 $0x80, s16;
	s17 =	sadd.s32 $0x400, s17;
	[tilespmem:s31+$0x20] =	vst v63  }
.Ltmp5:
0x45: {  	(pc) =	sbr.rel @p0 .LBB1_3-.Ltmp5, $2  }
0x46: {  	_ =	sdelay $0x2  }
0x47: {  	s16 =	simm.s32 $0x2000;
	p1 =	por $0x0, $0x0  }
.Ltmp6:
0x48: {  	(pc) =	sbr.rel .LBB1_9-.Ltmp6, $4  }
0x49: {  	_ = 	snop  }
0x4a: {  	s12 =	sshll.u32 s12, $0xA  }
0x4b: {  	s12 =	sadd.s32 s4, s12  }
0x4c: {  	[hbm4b:s12+s8] =	stream.linear.scatter [tilespmem:s13], [sflag:$0x2], $0x4000, $0x38;
	[tilespmem:$0x10000] =	vst v63  }
.LBB1_10:
0x4d: {  	_ =	sfence.sel $0x180000  }
0x4e: {  	s2 =	simm.s32 $0x1;
	[bflag:$0x0] =	sbarrier.arrive $0xFFFF  }
0x4f: {  	s31 =	simm.s32 $0x2;
	[sflag:s2] =	ssyncpa.u1 $0x1  }
0x50: {  	[sflag:s31] =	ssyncpa.u1 $0x1  }
0x51: {  	p0 =	sne.s32 s0, $0x0;
	_ =	strace $0x90000047  }
0x52: {  	s0 =	sadd.s32 @!p0 $0x100000, s1;
	[bflag:$0x2] =	sbarrier.arrive $0xFFFF  }
0x53: {  	[sflag:s0] =	ssyncadd.tile.s32 @!p0 $0x1;
	_ =	shalt  }
.Lfunc_end1:
_tile_overlayer_lowered:
.L_overlay_start_2:
0x54: {  	(tag) =	ssettag $0x2  }
0x55: {  	s0 =	rddreg [dreg:$0x0];
	s2 =	stileid.u32  }
0x56: {  	s1 =	rddreg [dreg:$0x1];
	p0 =	sne.s32 s2, $0x0  }
0x57: {  	s3 =	rddreg [dreg:$0x2];
	[bflag:$0x3] =	sbarrier.arrive $0xFFFF;
	s2 =	simm.s32 @!p0 $0x1C01  }
0x58: {  	[timem:s3], [sflag:s2] =	dma.local @!p0 [hbm:s0], s1  }
0x59: {  	s0 =	simm.s32 @!p0 $0x1  }
0x5a: {  	_ =	swait.ge @!p0 [sflag:s0], s1  }
0x5b: {  	s1 =	ssub.s32 @!p0 $0x0, s1;
	[sflag:s0] =	ssyncset.done @!p0 $0x0  }
0x5c: {  	[sflag:s0] =	ssyncadd.s32 @!p0 s1  }
0x5d: {  	[bflag:$0x3] =	sbarrier.arrive $0xFFFF  }
0x5e: {  	_ =	shalt  }

</sc_bundles>
